<compile_context>
chip_gen: v7x
topology: tpu7x:2x2x1
jax: 0.10.2.dev20260603
libtpu: 0.0.44.dev20260713+nightly
codegen_flags: <defaults>
</compile_context>

<pallas_src>
import jax
import jax.numpy as jnp
from jax import lax
from jax.experimental import pallas as pl
from jax.experimental.pallas import tpu as pltpu
from jax.experimental.pallas import tpu_sc as plsc

_NUM_CHARS = 128
_L = 20
_E = 64
_EP = _E // 2
_WORDS = 256 * 50
_NW = 32
_WPT = _WORDS // _NW
_SPT = _WPT // 50
_GROUPS = _WPT // 16
_OUT_D = 3 * _E


def _tree_sum(vs):
    while len(vs) > 1:
        nxt = [vs[i] + vs[i + 1] for i in range(0, len(vs) - 1, 2)]
        if len(vs) % 2:
            nxt.append(vs[-1])
        vs = nxt
    return vs[0]


def _sc_body(sntcs_hbm, w2_hbm, out_hbm, chars_v, w2_v, out_v):
    wid = lax.axis_index("s") * 2 + lax.axis_index("c")
    pltpu.sync_copy(sntcs_hbm.at[pl.ds(wid * _SPT, _SPT)], chars_v)
    pltpu.sync_copy(w2_hbm, w2_v)

    lane = lax.iota(jnp.int32, 16)

    def group(g, carry):
        widx = lane + g * 16
        b_v = widx // 50
        w_v = widx - b_v * 50
        inb = w_v * _L
        c = [plsc.load_gather(chars_v, [b_v, inb + l]) for l in range(_L)]

        m = c[0]
        a = jnp.zeros((16,), jnp.int32)
        for l in range(1, _L):
            gt = c[l] > m
            a = jnp.where(gt, l, a)
            m = jnp.where(gt, c[l], m)
        wl = jnp.maximum(a - 1, 0)
        ends = plsc.load_gather(chars_v, [b_v, inb + wl])

        rows = [jnp.where(wl == 0, 0, c[0])]
        rows += [jnp.where(wl == l, 0, c[l]) for l in range(1, _L - 1)]
        rows.append(ends)
        cl32 = [r * _EP for r in rows]

        @plsc.parallel_loop(0, _EP, unroll=8)
        def jbody(j):
            j16 = j & 15
            dmm = (j - j16) + ((j16 + lane) & 15)
            first_w = plsc.load_gather(w2_v, [cl32[0] + dmm])
            bow_w = _tree_sum([
                plsc.bitcast(plsc.load_gather(w2_v, [cl32[l] + dmm]), jnp.bfloat16)
                for l in range(1, _L - 1)
            ])
            last_w = plsc.load_gather(w2_v, [cl32[_L - 1] + dmm])
            f_a, f_b = plsc.unpack(
                plsc.bitcast(first_w, jnp.bfloat16), format=plsc.PackFormat.INTERLEAVED)
            s_a, s_b = plsc.unpack(bow_w, format=plsc.PackFormat.INTERLEAVED)
            l_a, l_b = plsc.unpack(
                plsc.bitcast(last_w, jnp.bfloat16), format=plsc.PackFormat.INTERLEAVED)
            da = dmm * 2
            plsc.store_scatter(out_v, [b_v, w_v, da], f_a)
            plsc.store_scatter(out_v, [b_v, w_v, da + 1], f_b)
            plsc.store_scatter(out_v, [b_v, w_v, da + _E], s_a)
            plsc.store_scatter(out_v, [b_v, w_v, da + (_E + 1)], s_b)
            plsc.store_scatter(out_v, [b_v, w_v, da + 2 * _E], l_a)
            plsc.store_scatter(out_v, [b_v, w_v, da + (2 * _E + 1)], l_b)

        return carry

    lax.fori_loop(0, _GROUPS, group, 0)
    pltpu.sync_copy(out_v, out_hbm.at[pl.ds(wid * _SPT, _SPT)])


def kernel(sntcs, W):
    s2d = sntcs.reshape(256, 50 * _L).astype(jnp.int32)
    wb = W.T.astype(jnp.bfloat16)
    w2 = jax.lax.bitcast_convert_type(
        wb.reshape(_NUM_CHARS, _EP, 2), jnp.int32).reshape(-1)
    mesh = plsc.VectorSubcoreMesh(core_axis_name="c", subcore_axis_name="s")
    run = pl.kernel(
        _sc_body,
        mesh=mesh,
        compiler_params=pltpu.CompilerParams(needs_layout_passes=False),
        out_type=jax.ShapeDtypeStruct((256, 50, _OUT_D), jnp.float32),
        scratch_types=[
            pltpu.VMEM((_SPT, 50 * _L), jnp.int32),
            pltpu.VMEM((_NUM_CHARS * _EP,), jnp.int32),
            pltpu.VMEM((_SPT, 50, _OUT_D), jnp.float32),
        ],
    )
    return run(s2d, w2)

# --- scband reference (transcript-rebuilt; emitter-appended) ---
"""Pipeline reference for scband-outer-pos-bow-68616397521347 (READ-ONLY COPY).

The authoritative reference and input builder live on the scoring server;
editing this copy changes nothing except your own understanding.
"""

import jax, jax.numpy as jnp
import numpy as np

NUM_CHARS = 128
EMBED_DIM = 192
DIM_THIRD = EMBED_DIM // 3
DIM_ADD = EMBED_DIM % 3


def setup_inputs(seed: int = 0) -> dict:
    key = jax.random.key(seed)
    k1, k2 = jax.random.split(key)
    sntcs = jax.random.randint(k1, (256, 50, 20), 0, NUM_CHARS)
    W = jax.random.normal(k2, (DIM_THIRD, NUM_CHARS), dtype=jnp.float32) * 0.05
    return {"sntcs": sntcs, "W": W}


def reference(sntcs, W):
    L = sntcs.shape[2]
    # word_lengths = relu(argmax(sntcs, dim=2) - 1)
    word_lengths = jnp.maximum(jnp.argmax(sntcs, axis=2) - 1, 0)
    # ends = gather along char axis
    ends = jnp.take_along_axis(sntcs, word_lengths[:, :, None], axis=2).squeeze(2)
    # scatter 0 at word_lengths position along axis 2
    mask = jnp.arange(L)[None, None, :] == word_lengths[:, :, None]
    s = jnp.where(mask, 0, sntcs)
    # overwrite last char position with gathered ends
    s = s.at[:, :, -1].set(ends)
    # one_hot (torch slices to :num_chars; values here are all < NUM_CHARS)
    word_list = jax.nn.one_hot(s, NUM_CHARS, dtype=jnp.float32)
    # Linear(num_chars -> embed_dim//3, bias=False): x @ W.T
    word_list = word_list @ W.T
    # bag-of-words over interior char positions
    bow = jnp.sum(word_list[:, :, 1:-1], axis=2)
    X = jnp.concatenate([word_list[:, :, 0], bow, word_list[:, :, -1]], axis=2)
    if DIM_ADD:
        X = jnp.pad(X, ((0, 0), (0, 0), (DIM_ADD, 0)))
    return X

if __name__ == "__main__":
    import jax
    _d = setup_inputs()
    print(jax.jit(kernel)(*tuple(_d.values())))

</pallas_src>

<mosaic_0001>
#map = affine_map<(d0, d1) -> (0, 0)>
#map1 = affine_map<(d0, d1) -> (0)>
#map2 = affine_map<(d0, d1) -> (0, 0, 0)>
module attributes {stable_mosaic.version = 14 : i64} {
  func.func @_sc_body(%arg0: i32, %arg1: i32, %arg2: memref<256x1000xi32, #tpu.memory_space<hbm>>, %arg3: memref<4096xi32, #tpu.memory_space<hbm>>, %arg4: memref<256x50x192xf32, #tpu.memory_space<hbm>>, %arg5: memref<8x1000xi32, #tpu.memory_space<vmem>>, %arg6: memref<4096xi32, #tpu.memory_space<vmem>>, %arg7: memref<8x50x192xf32, #tpu.memory_space<vmem>>) attributes {dimension_semantics = [#tpu.dimension_semantics<core_parallel>, #tpu.dimension_semantics<subcore_parallel>], iteration_bounds = array<i64: 2, 16>, scalar_prefetch = 0 : i64, scratch_operands = 3 : i64, tpu.core_type = #tpu.core_type<sc_vector_subcore>, window_params = [{transform_indices = #map}, {transform_indices = #map1}, {transform_indices = #map2}]} {
    %mul3A = arith.constant 2 : i32
    %mul3A_0 = arith.muli %arg1, %mul3A : i32
    %add3A = arith.addi %mul3A_0, %arg0 : i32
    %mul3A_1 = arith.constant 8 : i32
    %mul3A_2 = arith.muli %add3A, %mul3A_1 : i32
    "tpu.region"() ({
      %run_scoped3A = tpu.sem_alloc : memref<!tpu.dma_semaphore, #tpu.memory_space<semaphore_mem>>
      %dma_start3A = arith.constant 0 : i32
      %dma_start3A_10 = tpu.memref_slice %arg2[%mul3A_2, %dma_start3A] : memref<256x1000xi32, #tpu.memory_space<hbm>> -> memref<8x1000xi32, #tpu.memory_space<hbm>>
      %dma_start3A_11 = arith.constant 0 : i32
      %dma_start3A_12 = tpu.memref_slice %arg2[%mul3A_2, %dma_start3A_11] : memref<256x1000xi32, #tpu.memory_space<hbm>> -> memref<8x1000xi32, #tpu.memory_space<hbm>>
      tpu.enqueue_dma source(%dma_start3A_12 : memref<8x1000xi32, #tpu.memory_space<hbm>>) target(%arg5 : memref<8x1000xi32, #tpu.memory_space<vmem>>) target_semaphore(%run_scoped3A : memref<!tpu.dma_semaphore, #tpu.memory_space<semaphore_mem>>)
      %dma_wait3A = arith.constant 0 : i32
      %dma_wait3A_13 = tpu.memref_slice %arg2[%mul3A_2, %dma_wait3A] : memref<256x1000xi32, #tpu.memory_space<hbm>> -> memref<8x1000xi32, #tpu.memory_space<hbm>>
      %dma_wait3A_14 = arith.constant 0 : i32
      %dma_wait3A_15 = tpu.memref_slice %arg2[%mul3A_2, %dma_wait3A_14] : memref<256x1000xi32, #tpu.memory_space<hbm>> -> memref<8x1000xi32, #tpu.memory_space<hbm>>
      tpu.wait_dma2 semaphore(%run_scoped3A : memref<!tpu.dma_semaphore, #tpu.memory_space<semaphore_mem>>) src(%dma_wait3A_15 : memref<8x1000xi32, #tpu.memory_space<hbm>>) dst(%arg5 : memref<8x1000xi32, #tpu.memory_space<vmem>>)
      tpu.yield
    }) : () -> ()
    "tpu.region"() ({
      %run_scoped3A = tpu.sem_alloc : memref<!tpu.dma_semaphore, #tpu.memory_space<semaphore_mem>>
      tpu.enqueue_dma source(%arg3 : memref<4096xi32, #tpu.memory_space<hbm>>) target(%arg6 : memref<4096xi32, #tpu.memory_space<vmem>>) target_semaphore(%run_scoped3A : memref<!tpu.dma_semaphore, #tpu.memory_space<semaphore_mem>>)
      tpu.wait_dma2 semaphore(%run_scoped3A : memref<!tpu.dma_semaphore, #tpu.memory_space<semaphore_mem>>) src(%arg3 : memref<4096xi32, #tpu.memory_space<hbm>>) dst(%arg6 : memref<4096xi32, #tpu.memory_space<vmem>>)
      tpu.yield
    }) : () -> ()
    %iota3A = tpu.iota {dimensions = array<i32: 0>} : vector<16xi32>
    %scan3A = arith.constant 0 : i32
    %scan3A_3 = arith.constant 0 : i32
    %scan3A_4 = arith.constant 25 : i32
    %scan3A_5 = arith.addi %scan3A_3, %scan3A_4 : i32
    %scan3A_6 = arith.constant 1 : i32
    scf.for %scan3A_10 = %scan3A_3 to %scan3A_5 step %scan3A_6  : i32 {
      %mul3A_11 = arith.constant 16 : i32
      %mul3A_12 = arith.muli %scan3A_10, %mul3A_11 : i32
      %add3A_13 = vector.broadcast %mul3A_12 : i32 to vector<16xi32>
      %add3A_14 = arith.addi %iota3A, %add3A_13 : vector<16xi32>
      %jit3A = arith.constant 50 : i32
      %div3A = vector.broadcast %jit3A : i32 to vector<16xi32>
      %div3A_15 = arith.divsi %add3A_14, %div3A : vector<16xi32>
      %sign3A = arith.constant 0 : i32
      %sign3A_16 = vector.broadcast %sign3A : i32 to vector<16xi32>
      %sign3A_17 = arith.cmpi sgt, %add3A_14, %sign3A_16 : vector<16xi32>
      %sign3A_18 = arith.extui %sign3A_17 : vector<16xi1> to vector<16xi32>
      %sign3A_19 = arith.constant 0 : i32
      %sign3A_20 = vector.broadcast %sign3A_19 : i32 to vector<16xi32>
      %sign3A_21 = arith.cmpi slt, %add3A_14, %sign3A_20 : vector<16xi32>
      %sign3A_22 = arith.extui %sign3A_21 : vector<16xi1> to vector<16xi32>
      %sign3A_23 = arith.subi %sign3A_18, %sign3A_22 : vector<16xi32>
      %sign3A_24 = arith.constant 0 : i32
      %sign3A_25 = arith.cmpi sgt, %jit3A, %sign3A_24 : i32
      %sign3A_26 = arith.extui %sign3A_25 : i1 to i32
      %sign3A_27 = arith.constant 0 : i32
      %sign3A_28 = arith.cmpi slt, %jit3A, %sign3A_27 : i32
      %sign3A_29 = arith.extui %sign3A_28 : i1 to i32
      %sign3A_30 = arith.subi %sign3A_26, %sign3A_29 : i32
      %ne3A = vector.broadcast %sign3A_30 : i32 to vector<16xi32>
      %ne3A_31 = arith.cmpi ne, %sign3A_23, %ne3A : vector<16xi32>
      %rem3A = vector.broadcast %jit3A : i32 to vector<16xi32>
      %rem3A_32 = arith.remsi %add3A_14, %rem3A : vector<16xi32>
      %ne3A_33 = arith.constant 0 : i32
      %ne3A_34 = vector.broadcast %ne3A_33 : i32 to vector<16xi32>
      %ne3A_35 = arith.cmpi ne, %rem3A_32, %ne3A_34 : vector<16xi32>
      %and3A = arith.andi %ne3A_31, %ne3A_35 : vector<16xi1>
      %sub3A = arith.constant 1 : i32
      %sub3A_36 = vector.broadcast %sub3A : i32 to vector<16xi32>
      %sub3A_37 = arith.subi %div3A_15, %sub3A_36 : vector<16xi32>
      %select_n3A = arith.select %and3A, %sub3A_37, %div3A_15 : vector<16xi1>, vector<16xi32>
      %mul3A_38 = arith.constant 50 : i32
      %mul3A_39 = vector.broadcast %mul3A_38 : i32 to vector<16xi32>
      %mul3A_40 = arith.muli %select_n3A, %mul3A_39 : vector<16xi32>
      %sub3A_41 = arith.subi %add3A_14, %mul3A_40 : vector<16xi32>
      %mul3A_42 = arith.constant 20 : i32
      %mul3A_43 = vector.broadcast %mul3A_42 : i32 to vector<16xi32>
      %mul3A_44 = arith.muli %sub3A_41, %mul3A_43 : vector<16xi32>
      %add3A_45 = arith.constant 0 : i32
      %add3A_46 = vector.broadcast %add3A_45 : i32 to vector<16xi32>
      %add3A_47 = arith.addi %mul3A_44, %add3A_46 : vector<16xi32>
      %gather3A = tpu.vector_load_idx %arg5[%select_n3A, %add3A_47] : memref<8x1000xi32, #tpu.memory_space<vmem>>[vector<16xi32>, vector<16xi32>], vector<16xi32>,
      %add3A_48 = arith.constant 1 : i32
      %add3A_49 = vector.broadcast %add3A_48 : i32 to vector<16xi32>
      %add3A_50 = arith.addi %mul3A_44, %add3A_49 : vector<16xi32>
      %gather3A_51 = tpu.vector_load_idx %arg5[%select_n3A, %add3A_50] : memref<8x1000xi32, #tpu.memory_space<vmem>>[vector<16xi32>, vector<16xi32>], vector<16xi32>,
      %add3A_52 = arith.constant 2 : i32
      %add3A_53 = vector.broadcast %add3A_52 : i32 to vector<16xi32>
      %add3A_54 = arith.addi %mul3A_44, %add3A_53 : vector<16xi32>
      %gather3A_55 = tpu.vector_load_idx %arg5[%select_n3A, %add3A_54] : memref<8x1000xi32, #tpu.memory_space<vmem>>[vector<16xi32>, vector<16xi32>], vector<16xi32>,
      %add3A_56 = arith.constant 3 : i32
      %add3A_57 = vector.broadcast %add3A_56 : i32 to vector<16xi32>
      %add3A_58 = arith.addi %mul3A_44, %add3A_57 : vector<16xi32>
      %gather3A_59 = tpu.vector_load_idx %arg5[%select_n3A, %add3A_58] : memref<8x1000xi32, #tpu.memory_space<vmem>>[vector<16xi32>, vector<16xi32>], vector<16xi32>,
      %add3A_60 = arith.constant 4 : i32
      %add3A_61 = vector.broadcast %add3A_60 : i32 to vector<16xi32>
      %add3A_62 = arith.addi %mul3A_44, %add3A_61 : vector<16xi32>
      %gather3A_63 = tpu.vector_load_idx %arg5[%select_n3A, %add3A_62] : memref<8x1000xi32, #tpu.memory_space<vmem>>[vector<16xi32>, vector<16xi32>], vector<16xi32>,
      %add3A_64 = arith.constant 5 : i32
      %add3A_65 = vector.broadcast %add3A_64 : i32 to vector<16xi32>
      %add3A_66 = arith.addi %mul3A_44, %add3A_65 : vector<16xi32>
      %gather3A_67 = tpu.vector_load_idx %arg5[%select_n3A, %add3A_66] : memref<8x1000xi32, #tpu.memory_space<vmem>>[vector<16xi32>, vector<16xi32>], vector<16xi32>,
      %add3A_68 = arith.constant 6 : i32
      %add3A_69 = vector.broadcast %add3A_68 : i32 to vector<16xi32>
      %add3A_70 = arith.addi %mul3A_44, %add3A_69 : vector<16xi32>
      %gather3A_71 = tpu.vector_load_idx %arg5[%select_n3A, %add3A_70] : memref<8x1000xi32, #tpu.memory_space<vmem>>[vector<16xi32>, vector<16xi32>], vector<16xi32>,
      %add3A_72 = arith.constant 7 : i32
      %add3A_73 = vector.broadcast %add3A_72 : i32 to vector<16xi32>
      %add3A_74 = arith.addi %mul3A_44, %add3A_73 : vector<16xi32>
      %gather3A_75 = tpu.vector_load_idx %arg5[%select_n3A, %add3A_74] : memref<8x1000xi32, #tpu.memory_space<vmem>>[vector<16xi32>, vector<16xi32>], vector<16xi32>,
      %add3A_76 = arith.constant 8 : i32
      %add3A_77 = vector.broadcast %add3A_76 : i32 to vector<16xi32>
      %add3A_78 = arith.addi %mul3A_44, %add3A_77 : vector<16xi32>
      %gather3A_79 = tpu.vector_load_idx %arg5[%select_n3A, %add3A_78] : memref<8x1000xi32, #tpu.memory_space<vmem>>[vector<16xi32>, vector<16xi32>], vector<16xi32>,
      %add3A_80 = arith.constant 9 : i32
      %add3A_81 = vector.broadcast %add3A_80 : i32 to vector<16xi32>
      %add3A_82 = arith.addi %mul3A_44, %add3A_81 : vector<16xi32>
      %gather3A_83 = tpu.vector_load_idx %arg5[%select_n3A, %add3A_82] : memref<8x1000xi32, #tpu.memory_space<vmem>>[vector<16xi32>, vector<16xi32>], vector<16xi32>,
      %add3A_84 = arith.constant 10 : i32
      %add3A_85 = vector.broadcast %add3A_84 : i32 to vector<16xi32>
      %add3A_86 = arith.addi %mul3A_44, %add3A_85 : vector<16xi32>
      %gather3A_87 = tpu.vector_load_idx %arg5[%select_n3A, %add3A_86] : memref<8x1000xi32, #tpu.memory_space<vmem>>[vector<16xi32>, vector<16xi32>], vector<16xi32>,
      %add3A_88 = arith.constant 11 : i32
      %add3A_89 = vector.broadcast %add3A_88 : i32 to vector<16xi32>
      %add3A_90 = arith.addi %mul3A_44, %add3A_89 : vector<16xi32>
      %gather3A_91 = tpu.vector_load_idx %arg5[%select_n3A, %add3A_90] : memref<8x1000xi32, #tpu.memory_space<vmem>>[vector<16xi32>, vector<16xi32>], vector<16xi32>,
      %add3A_92 = arith.constant 12 : i32
      %add3A_93 = vector.broadcast %add3A_92 : i32 to vector<16xi32>
      %add3A_94 = arith.addi %mul3A_44, %add3A_93 : vector<16xi32>
      %gather3A_95 = tpu.vector_load_idx %arg5[%select_n3A, %add3A_94] : memref<8x1000xi32, #tpu.memory_space<vmem>>[vector<16xi32>, vector<16xi32>], vector<16xi32>,
      %add3A_96 = arith.constant 13 : i32
      %add3A_97 = vector.broadcast %add3A_96 : i32 to vector<16xi32>
      %add3A_98 = arith.addi %mul3A_44, %add3A_97 : vector<16xi32>
      %gather3A_99 = tpu.vector_load_idx %arg5[%select_n3A, %add3A_98] : memref<8x1000xi32, #tpu.memory_space<vmem>>[vector<16xi32>, vector<16xi32>], vector<16xi32>,
      %add3A_100 = arith.constant 14 : i32
      %add3A_101 = vector.broadcast %add3A_100 : i32 to vector<16xi32>
      %add3A_102 = arith.addi %mul3A_44, %add3A_101 : vector<16xi32>
      %gather3A_103 = tpu.vector_load_idx %arg5[%select_n3A, %add3A_102] : memref<8x1000xi32, #tpu.memory_space<vmem>>[vector<16xi32>, vector<16xi32>], vector<16xi32>,
      %add3A_104 = arith.constant 15 : i32
      %add3A_105 = vector.broadcast %add3A_104 : i32 to vector<16xi32>
      %add3A_106 = arith.addi %mul3A_44, %add3A_105 : vector<16xi32>
      %gather3A_107 = tpu.vector_load_idx %arg5[%select_n3A, %add3A_106] : memref<8x1000xi32, #tpu.memory_space<vmem>>[vector<16xi32>, vector<16xi32>], vector<16xi32>,
      %add3A_108 = arith.constant 16 : i32
      %add3A_109 = vector.broadcast %add3A_108 : i32 to vector<16xi32>
      %add3A_110 = arith.addi %mul3A_44, %add3A_109 : vector<16xi32>
      %gather3A_111 = tpu.vector_load_idx %arg5[%select_n3A, %add3A_110] : memref<8x1000xi32, #tpu.memory_space<vmem>>[vector<16xi32>, vector<16xi32>], vector<16xi32>,
      %add3A_112 = arith.constant 17 : i32
      %add3A_113 = vector.broadcast %add3A_112 : i32 to vector<16xi32>
      %add3A_114 = arith.addi %mul3A_44, %add3A_113 : vector<16xi32>
      %gather3A_115 = tpu.vector_load_idx %arg5[%select_n3A, %add3A_114] : memref<8x1000xi32, #tpu.memory_space<vmem>>[vector<16xi32>, vector<16xi32>], vector<16xi32>,
      %add3A_116 = arith.constant 18 : i32
      %add3A_117 = vector.broadcast %add3A_116 : i32 to vector<16xi32>
      %add3A_118 = arith.addi %mul3A_44, %add3A_117 : vector<16xi32>
      %gather3A_119 = tpu.vector_load_idx %arg5[%select_n3A, %add3A_118] : memref<8x1000xi32, #tpu.memory_space<vmem>>[vector<16xi32>, vector<16xi32>], vector<16xi32>,
      %add3A_120 = arith.constant 19 : i32
      %add3A_121 = vector.broadcast %add3A_120 : i32 to vector<16xi32>
      %add3A_122 = arith.addi %mul3A_44, %add3A_121 : vector<16xi32>
      %gather3A_123 = tpu.vector_load_idx %arg5[%select_n3A, %add3A_122] : memref<8x1000xi32, #tpu.memory_space<vmem>>[vector<16xi32>, vector<16xi32>], vector<16xi32>,
      %broadcast_in_dim3A = arith.constant 0 : i32
      %broadcast_in_dim3A_124 = vector.broadcast %broadcast_in_dim3A : i32 to vector<16xi32>
      %gt3A = arith.cmpi sgt, %gather3A_51, %gather3A : vector<16xi32>
      %jit3A_125 = arith.constant 1 : i32
      %broadcast_in_dim3A_126 = vector.broadcast %jit3A_125 : i32 to vector<16xi32>
      %select_n3A_127 = arith.select %gt3A, %broadcast_in_dim3A_126, %broadcast_in_dim3A_124 : vector<16xi1>, vector<16xi32>
      %select_n3A_128 = arith.select %gt3A, %gather3A_51, %gather3A : vector<16xi1>, vector<16xi32>
      %gt3A_129 = arith.cmpi sgt, %gather3A_55, %select_n3A_128 : vector<16xi32>
      %jit3A_130 = arith.constant 2 : i32
      %broadcast_in_dim3A_131 = vector.broadcast %jit3A_130 : i32 to vector<16xi32>
      %select_n3A_132 = arith.select %gt3A_129, %broadcast_in_dim3A_131, %select_n3A_127 : vector<16xi1>, vector<16xi32>
      %select_n3A_133 = arith.select %gt3A_129, %gather3A_55, %select_n3A_128 : vector<16xi1>, vector<16xi32>
      %gt3A_134 = arith.cmpi sgt, %gather3A_59, %select_n3A_133 : vector<16xi32>
      %jit3A_135 = arith.constant 3 : i32
      %broadcast_in_dim3A_136 = vector.broadcast %jit3A_135 : i32 to vector<16xi32>
      %select_n3A_137 = arith.select %gt3A_134, %broadcast_in_dim3A_136, %select_n3A_132 : vector<16xi1>, vector<16xi32>
      %select_n3A_138 = arith.select %gt3A_134, %gather3A_59, %select_n3A_133 : vector<16xi1>, vector<16xi32>
      %gt3A_139 = arith.cmpi sgt, %gather3A_63, %select_n3A_138 : vector<16xi32>
      %jit3A_140 = arith.constant 4 : i32
      %broadcast_in_dim3A_141 = vector.broadcast %jit3A_140 : i32 to vector<16xi32>
      %select_n3A_142 = arith.select %gt3A_139, %broadcast_in_dim3A_141, %select_n3A_137 : vector<16xi1>, vector<16xi32>
      %select_n3A_143 = arith.select %gt3A_139, %gather3A_63, %select_n3A_138 : vector<16xi1>, vector<16xi32>
      %gt3A_144 = arith.cmpi sgt, %gather3A_67, %select_n3A_143 : vector<16xi32>
      %jit3A_145 = arith.constant 5 : i32
      %broadcast_in_dim3A_146 = vector.broadcast %jit3A_145 : i32 to vector<16xi32>
      %select_n3A_147 = arith.select %gt3A_144, %broadcast_in_dim3A_146, %select_n3A_142 : vector<16xi1>, vector<16xi32>
      %select_n3A_148 = arith.select %gt3A_144, %gather3A_67, %select_n3A_143 : vector<16xi1>, vector<16xi32>
      %gt3A_149 = arith.cmpi sgt, %gather3A_71, %select_n3A_148 : vector<16xi32>
      %jit3A_150 = arith.constant 6 : i32
      %broadcast_in_dim3A_151 = vector.broadcast %jit3A_150 : i32 to vector<16xi32>
      %select_n3A_152 = arith.select %gt3A_149, %broadcast_in_dim3A_151, %select_n3A_147 : vector<16xi1>, vector<16xi32>
      %select_n3A_153 = arith.select %gt3A_149, %gather3A_71, %select_n3A_148 : vector<16xi1>, vector<16xi32>
      %gt3A_154 = arith.cmpi sgt, %gather3A_75, %select_n3A_153 : vector<16xi32>
      %jit3A_155 = arith.constant 7 : i32
      %broadcast_in_dim3A_156 = vector.broadcast %jit3A_155 : i32 to vector<16xi32>
      %select_n3A_157 = arith.select %gt3A_154, %broadcast_in_dim3A_156, %select_n3A_152 : vector<16xi1>, vector<16xi32>
      %select_n3A_158 = arith.select %gt3A_154, %gather3A_75, %select_n3A_153 : vector<16xi1>, vector<16xi32>
      %gt3A_159 = arith.cmpi sgt, %gather3A_79, %select_n3A_158 : vector<16xi32>
      %jit3A_160 = arith.constant 8 : i32
      %broadcast_in_dim3A_161 = vector.broadcast %jit3A_160 : i32 to vector<16xi32>
      %select_n3A_162 = arith.select %gt3A_159, %broadcast_in_dim3A_161, %select_n3A_157 : vector<16xi1>, vector<16xi32>
      %select_n3A_163 = arith.select %gt3A_159, %gather3A_79, %select_n3A_158 : vector<16xi1>, vector<16xi32>
      %gt3A_164 = arith.cmpi sgt, %gather3A_83, %select_n3A_163 : vector<16xi32>
      %jit3A_165 = arith.constant 9 : i32
      %broadcast_in_dim3A_166 = vector.broadcast %jit3A_165 : i32 to vector<16xi32>
      %select_n3A_167 = arith.select %gt3A_164, %broadcast_in_dim3A_166, %select_n3A_162 : vector<16xi1>, vector<16xi32>
      %select_n3A_168 = arith.select %gt3A_164, %gather3A_83, %select_n3A_163 : vector<16xi1>, vector<16xi32>
      %gt3A_169 = arith.cmpi sgt, %gather3A_87, %select_n3A_168 : vector<16xi32>
      %jit3A_170 = arith.constant 10 : i32
      %broadcast_in_dim3A_171 = vector.broadcast %jit3A_170 : i32 to vector<16xi32>
      %select_n3A_172 = arith.select %gt3A_169, %broadcast_in_dim3A_171, %select_n3A_167 : vector<16xi1>, vector<16xi32>
      %select_n3A_173 = arith.select %gt3A_169, %gather3A_87, %select_n3A_168 : vector<16xi1>, vector<16xi32>
      %gt3A_174 = arith.cmpi sgt, %gather3A_91, %select_n3A_173 : vector<16xi32>
      %jit3A_175 = arith.constant 11 : i32
      %broadcast_in_dim3A_176 = vector.broadcast %jit3A_175 : i32 to vector<16xi32>
      %select_n3A_177 = arith.select %gt3A_174, %broadcast_in_dim3A_176, %select_n3A_172 : vector<16xi1>, vector<16xi32>
      %select_n3A_178 = arith.select %gt3A_174, %gather3A_91, %select_n3A_173 : vector<16xi1>, vector<16xi32>
      %gt3A_179 = arith.cmpi sgt, %gather3A_95, %select_n3A_178 : vector<16xi32>
      %jit3A_180 = arith.constant 12 : i32
      %broadcast_in_dim3A_181 = vector.broadcast %jit3A_180 : i32 to vector<16xi32>
      %select_n3A_182 = arith.select %gt3A_179, %broadcast_in_dim3A_181, %select_n3A_177 : vector<16xi1>, vector<16xi32>
      %select_n3A_183 = arith.select %gt3A_179, %gather3A_95, %select_n3A_178 : vector<16xi1>, vector<16xi32>
      %gt3A_184 = arith.cmpi sgt, %gather3A_99, %select_n3A_183 : vector<16xi32>
      %jit3A_185 = arith.constant 13 : i32
      %broadcast_in_dim3A_186 = vector.broadcast %jit3A_185 : i32 to vector<16xi32>
      %select_n3A_187 = arith.select %gt3A_184, %broadcast_in_dim3A_186, %select_n3A_182 : vector<16xi1>, vector<16xi32>
      %select_n3A_188 = arith.select %gt3A_184, %gather3A_99, %select_n3A_183 : vector<16xi1>, vector<16xi32>
      %gt3A_189 = arith.cmpi sgt, %gather3A_103, %select_n3A_188 : vector<16xi32>
      %jit3A_190 = arith.constant 14 : i32
      %broadcast_in_dim3A_191 = vector.broadcast %jit3A_190 : i32 to vector<16xi32>
      %select_n3A_192 = arith.select %gt3A_189, %broadcast_in_dim3A_191, %select_n3A_187 : vector<16xi1>, vector<16xi32>
      %select_n3A_193 = arith.select %gt3A_189, %gather3A_103, %select_n3A_188 : vector<16xi1>, vector<16xi32>
      %gt3A_194 = arith.cmpi sgt, %gather3A_107, %select_n3A_193 : vector<16xi32>
      %jit3A_195 = arith.constant 15 : i32
      %broadcast_in_dim3A_196 = vector.broadcast %jit3A_195 : i32 to vector<16xi32>
      %select_n3A_197 = arith.select %gt3A_194, %broadcast_in_dim3A_196, %select_n3A_192 : vector<16xi1>, vector<16xi32>
      %select_n3A_198 = arith.select %gt3A_194, %gather3A_107, %select_n3A_193 : vector<16xi1>, vector<16xi32>
      %gt3A_199 = arith.cmpi sgt, %gather3A_111, %select_n3A_198 : vector<16xi32>
      %jit3A_200 = arith.constant 16 : i32
      %broadcast_in_dim3A_201 = vector.broadcast %jit3A_200 : i32 to vector<16xi32>
      %select_n3A_202 = arith.select %gt3A_199, %broadcast_in_dim3A_201, %select_n3A_197 : vector<16xi1>, vector<16xi32>
      %select_n3A_203 = arith.select %gt3A_199, %gather3A_111, %select_n3A_198 : vector<16xi1>, vector<16xi32>
      %gt3A_204 = arith.cmpi sgt, %gather3A_115, %select_n3A_203 : vector<16xi32>
      %jit3A_205 = arith.constant 17 : i32
      %broadcast_in_dim3A_206 = vector.broadcast %jit3A_205 : i32 to vector<16xi32>
      %select_n3A_207 = arith.select %gt3A_204, %broadcast_in_dim3A_206, %select_n3A_202 : vector<16xi1>, vector<16xi32>
      %select_n3A_208 = arith.select %gt3A_204, %gather3A_115, %select_n3A_203 : vector<16xi1>, vector<16xi32>
      %gt3A_209 = arith.cmpi sgt, %gather3A_119, %select_n3A_208 : vector<16xi32>
      %jit3A_210 = arith.constant 18 : i32
      %broadcast_in_dim3A_211 = vector.broadcast %jit3A_210 : i32 to vector<16xi32>
      %select_n3A_212 = arith.select %gt3A_209, %broadcast_in_dim3A_211, %select_n3A_207 : vector<16xi1>, vector<16xi32>
      %select_n3A_213 = arith.select %gt3A_209, %gather3A_119, %select_n3A_208 : vector<16xi1>, vector<16xi32>
      %gt3A_214 = arith.cmpi sgt, %gather3A_123, %select_n3A_213 : vector<16xi32>
      %jit3A_215 = arith.constant 19 : i32
      %broadcast_in_dim3A_216 = vector.broadcast %jit3A_215 : i32 to vector<16xi32>
      %select_n3A_217 = arith.select %gt3A_214, %broadcast_in_dim3A_216, %select_n3A_212 : vector<16xi1>, vector<16xi32>
      %select_n3A_218 = arith.select %gt3A_214, %gather3A_123, %select_n3A_213 : vector<16xi1>, vector<16xi32>
      %sub3A_219 = arith.constant 1 : i32
      %sub3A_220 = vector.broadcast %sub3A_219 : i32 to vector<16xi32>
      %sub3A_221 = arith.subi %select_n3A_217, %sub3A_220 : vector<16xi32>
      %max3A = arith.constant 0 : i32
      %max3A_222 = vector.broadcast %max3A : i32 to vector<16xi32>
      %max3A_223 = arith.maxsi %sub3A_221, %max3A_222 : vector<16xi32>
      %add3A_224 = arith.addi %mul3A_44, %max3A_223 : vector<16xi32>
      %gather3A_225 = tpu.vector_load_idx %arg5[%select_n3A, %add3A_224] : memref<8x1000xi32, #tpu.memory_space<vmem>>[vector<16xi32>, vector<16xi32>], vector<16xi32>,
      %eq3A = arith.constant 0 : i32
      %eq3A_226 = vector.broadcast %eq3A : i32 to vector<16xi32>
      %eq3A_227 = arith.cmpi eq, %max3A_223, %eq3A_226 : vector<16xi32>
      %jit3A_228 = arith.constant 0 : i32
      %broadcast_in_dim3A_229 = vector.broadcast %jit3A_228 : i32 to vector<16xi32>
      %select_n3A_230 = arith.select %eq3A_227, %broadcast_in_dim3A_229, %gather3A : vector<16xi1>, vector<16xi32>
      %eq3A_231 = arith.constant 1 : i32
      %eq3A_232 = vector.broadcast %eq3A_231 : i32 to vector<16xi32>
      %eq3A_233 = arith.cmpi eq, %max3A_223, %eq3A_232 : vector<16xi32>
      %jit3A_234 = arith.constant 0 : i32
      %broadcast_in_dim3A_235 = vector.broadcast %jit3A_234 : i32 to vector<16xi32>
      %select_n3A_236 = arith.select %eq3A_233, %broadcast_in_dim3A_235, %gather3A_51 : vector<16xi1>, vector<16xi32>
      %eq3A_237 = arith.constant 2 : i32
      %eq3A_238 = vector.broadcast %eq3A_237 : i32 to vector<16xi32>
      %eq3A_239 = arith.cmpi eq, %max3A_223, %eq3A_238 : vector<16xi32>
      %jit3A_240 = arith.constant 0 : i32
      %broadcast_in_dim3A_241 = vector.broadcast %jit3A_240 : i32 to vector<16xi32>
      %select_n3A_242 = arith.select %eq3A_239, %broadcast_in_dim3A_241, %gather3A_55 : vector<16xi1>, vector<16xi32>
      %eq3A_243 = arith.constant 3 : i32
      %eq3A_244 = vector.broadcast %eq3A_243 : i32 to vector<16xi32>
      %eq3A_245 = arith.cmpi eq, %max3A_223, %eq3A_244 : vector<16xi32>
      %jit3A_246 = arith.constant 0 : i32
      %broadcast_in_dim3A_247 = vector.broadcast %jit3A_246 : i32 to vector<16xi32>
      %select_n3A_248 = arith.select %eq3A_245, %broadcast_in_dim3A_247, %gather3A_59 : vector<16xi1>, vector<16xi32>
      %eq3A_249 = arith.constant 4 : i32
      %eq3A_250 = vector.broadcast %eq3A_249 : i32 to vector<16xi32>
      %eq3A_251 = arith.cmpi eq, %max3A_223, %eq3A_250 : vector<16xi32>
      %jit3A_252 = arith.constant 0 : i32
      %broadcast_in_dim3A_253 = vector.broadcast %jit3A_252 : i32 to vector<16xi32>
      %select_n3A_254 = arith.select %eq3A_251, %broadcast_in_dim3A_253, %gather3A_63 : vector<16xi1>, vector<16xi32>
      %eq3A_255 = arith.constant 5 : i32
      %eq3A_256 = vector.broadcast %eq3A_255 : i32 to vector<16xi32>
      %eq3A_257 = arith.cmpi eq, %max3A_223, %eq3A_256 : vector<16xi32>
      %jit3A_258 = arith.constant 0 : i32
      %broadcast_in_dim3A_259 = vector.broadcast %jit3A_258 : i32 to vector<16xi32>
      %select_n3A_260 = arith.select %eq3A_257, %broadcast_in_dim3A_259, %gather3A_67 : vector<16xi1>, vector<16xi32>
      %eq3A_261 = arith.constant 6 : i32
      %eq3A_262 = vector.broadcast %eq3A_261 : i32 to vector<16xi32>
      %eq3A_263 = arith.cmpi eq, %max3A_223, %eq3A_262 : vector<16xi32>
      %jit3A_264 = arith.constant 0 : i32
      %broadcast_in_dim3A_265 = vector.broadcast %jit3A_264 : i32 to vector<16xi32>
      %select_n3A_266 = arith.select %eq3A_263, %broadcast_in_dim3A_265, %gather3A_71 : vector<16xi1>, vector<16xi32>
      %eq3A_267 = arith.constant 7 : i32
      %eq3A_268 = vector.broadcast %eq3A_267 : i32 to vector<16xi32>
      %eq3A_269 = arith.cmpi eq, %max3A_223, %eq3A_268 : vector<16xi32>
      %jit3A_270 = arith.constant 0 : i32
      %broadcast_in_dim3A_271 = vector.broadcast %jit3A_270 : i32 to vector<16xi32>
      %select_n3A_272 = arith.select %eq3A_269, %broadcast_in_dim3A_271, %gather3A_75 : vector<16xi1>, vector<16xi32>
      %eq3A_273 = arith.constant 8 : i32
      %eq3A_274 = vector.broadcast %eq3A_273 : i32 to vector<16xi32>
      %eq3A_275 = arith.cmpi eq, %max3A_223, %eq3A_274 : vector<16xi32>
      %jit3A_276 = arith.constant 0 : i32
      %broadcast_in_dim3A_277 = vector.broadcast %jit3A_276 : i32 to vector<16xi32>
      %select_n3A_278 = arith.select %eq3A_275, %broadcast_in_dim3A_277, %gather3A_79 : vector<16xi1>, vector<16xi32>
      %eq3A_279 = arith.constant 9 : i32
      %eq3A_280 = vector.broadcast %eq3A_279 : i32 to vector<16xi32>
      %eq3A_281 = arith.cmpi eq, %max3A_223, %eq3A_280 : vector<16xi32>
      %jit3A_282 = arith.constant 0 : i32
      %broadcast_in_dim3A_283 = vector.broadcast %jit3A_282 : i32 to vector<16xi32>
      %select_n3A_284 = arith.select %eq3A_281, %broadcast_in_dim3A_283, %gather3A_83 : vector<16xi1>, vector<16xi32>
      %eq3A_285 = arith.constant 10 : i32
      %eq3A_286 = vector.broadcast %eq3A_285 : i32 to vector<16xi32>
      %eq3A_287 = arith.cmpi eq, %max3A_223, %eq3A_286 : vector<16xi32>
      %jit3A_288 = arith.constant 0 : i32
      %broadcast_in_dim3A_289 = vector.broadcast %jit3A_288 : i32 to vector<16xi32>
      %select_n3A_290 = arith.select %eq3A_287, %broadcast_in_dim3A_289, %gather3A_87 : vector<16xi1>, vector<16xi32>
      %eq3A_291 = arith.constant 11 : i32
      %eq3A_292 = vector.broadcast %eq3A_291 : i32 to vector<16xi32>
      %eq3A_293 = arith.cmpi eq, %max3A_223, %eq3A_292 : vector<16xi32>
      %jit3A_294 = arith.constant 0 : i32
      %broadcast_in_dim3A_295 = vector.broadcast %jit3A_294 : i32 to vector<16xi32>
      %select_n3A_296 = arith.select %eq3A_293, %broadcast_in_dim3A_295, %gather3A_91 : vector<16xi1>, vector<16xi32>
      %eq3A_297 = arith.constant 12 : i32
      %eq3A_298 = vector.broadcast %eq3A_297 : i32 to vector<16xi32>
      %eq3A_299 = arith.cmpi eq, %max3A_223, %eq3A_298 : vector<16xi32>
      %jit3A_300 = arith.constant 0 : i32
      %broadcast_in_dim3A_301 = vector.broadcast %jit3A_300 : i32 to vector<16xi32>
      %select_n3A_302 = arith.select %eq3A_299, %broadcast_in_dim3A_301, %gather3A_95 : vector<16xi1>, vector<16xi32>
      %eq3A_303 = arith.constant 13 : i32
      %eq3A_304 = vector.broadcast %eq3A_303 : i32 to vector<16xi32>
      %eq3A_305 = arith.cmpi eq, %max3A_223, %eq3A_304 : vector<16xi32>
      %jit3A_306 = arith.constant 0 : i32
      %broadcast_in_dim3A_307 = vector.broadcast %jit3A_306 : i32 to vector<16xi32>
      %select_n3A_308 = arith.select %eq3A_305, %broadcast_in_dim3A_307, %gather3A_99 : vector<16xi1>, vector<16xi32>
      %eq3A_309 = arith.constant 14 : i32
      %eq3A_310 = vector.broadcast %eq3A_309 : i32 to vector<16xi32>
      %eq3A_311 = arith.cmpi eq, %max3A_223, %eq3A_310 : vector<16xi32>
      %jit3A_312 = arith.constant 0 : i32
      %broadcast_in_dim3A_313 = vector.broadcast %jit3A_312 : i32 to vector<16xi32>
      %select_n3A_314 = arith.select %eq3A_311, %broadcast_in_dim3A_313, %gather3A_103 : vector<16xi1>, vector<16xi32>
      %eq3A_315 = arith.constant 15 : i32
      %eq3A_316 = vector.broadcast %eq3A_315 : i32 to vector<16xi32>
      %eq3A_317 = arith.cmpi eq, %max3A_223, %eq3A_316 : vector<16xi32>
      %jit3A_318 = arith.constant 0 : i32
      %broadcast_in_dim3A_319 = vector.broadcast %jit3A_318 : i32 to vector<16xi32>
      %select_n3A_320 = arith.select %eq3A_317, %broadcast_in_dim3A_319, %gather3A_107 : vector<16xi1>, vector<16xi32>
      %eq3A_321 = arith.constant 16 : i32
      %eq3A_322 = vector.broadcast %eq3A_321 : i32 to vector<16xi32>
      %eq3A_323 = arith.cmpi eq, %max3A_223, %eq3A_322 : vector<16xi32>
      %jit3A_324 = arith.constant 0 : i32
      %broadcast_in_dim3A_325 = vector.broadcast %jit3A_324 : i32 to vector<16xi32>
      %select_n3A_326 = arith.select %eq3A_323, %broadcast_in_dim3A_325, %gather3A_111 : vector<16xi1>, vector<16xi32>
      %eq3A_327 = arith.constant 17 : i32
      %eq3A_328 = vector.broadcast %eq3A_327 : i32 to vector<16xi32>
      %eq3A_329 = arith.cmpi eq, %max3A_223, %eq3A_328 : vector<16xi32>
      %jit3A_330 = arith.constant 0 : i32
      %broadcast_in_dim3A_331 = vector.broadcast %jit3A_330 : i32 to vector<16xi32>
      %select_n3A_332 = arith.select %eq3A_329, %broadcast_in_dim3A_331, %gather3A_115 : vector<16xi1>, vector<16xi32>
      %eq3A_333 = arith.constant 18 : i32
      %eq3A_334 = vector.broadcast %eq3A_333 : i32 to vector<16xi32>
      %eq3A_335 = arith.cmpi eq, %max3A_223, %eq3A_334 : vector<16xi32>
      %jit3A_336 = arith.constant 0 : i32
      %broadcast_in_dim3A_337 = vector.broadcast %jit3A_336 : i32 to vector<16xi32>
      %select_n3A_338 = arith.select %eq3A_335, %broadcast_in_dim3A_337, %gather3A_119 : vector<16xi1>, vector<16xi32>
      %mul3A_339 = arith.constant 32 : i32
      %mul3A_340 = vector.broadcast %mul3A_339 : i32 to vector<16xi32>
      %mul3A_341 = arith.muli %select_n3A_230, %mul3A_340 : vector<16xi32>
      %mul3A_342 = arith.constant 32 : i32
      %mul3A_343 = vector.broadcast %mul3A_342 : i32 to vector<16xi32>
      %mul3A_344 = arith.muli %select_n3A_236, %mul3A_343 : vector<16xi32>
      %mul3A_345 = arith.constant 32 : i32
      %mul3A_346 = vector.broadcast %mul3A_345 : i32 to vector<16xi32>
      %mul3A_347 = arith.muli %select_n3A_242, %mul3A_346 : vector<16xi32>
      %mul3A_348 = arith.constant 32 : i32
      %mul3A_349 = vector.broadcast %mul3A_348 : i32 to vector<16xi32>
      %mul3A_350 = arith.muli %select_n3A_248, %mul3A_349 : vector<16xi32>
      %mul3A_351 = arith.constant 32 : i32
      %mul3A_352 = vector.broadcast %mul3A_351 : i32 to vector<16xi32>
      %mul3A_353 = arith.muli %select_n3A_254, %mul3A_352 : vector<16xi32>
      %mul3A_354 = arith.constant 32 : i32
      %mul3A_355 = vector.broadcast %mul3A_354 : i32 to vector<16xi32>
      %mul3A_356 = arith.muli %select_n3A_260, %mul3A_355 : vector<16xi32>
      %mul3A_357 = arith.constant 32 : i32
      %mul3A_358 = vector.broadcast %mul3A_357 : i32 to vector<16xi32>
      %mul3A_359 = arith.muli %select_n3A_266, %mul3A_358 : vector<16xi32>
      %mul3A_360 = arith.constant 32 : i32
      %mul3A_361 = vector.broadcast %mul3A_360 : i32 to vector<16xi32>
      %mul3A_362 = arith.muli %select_n3A_272, %mul3A_361 : vector<16xi32>
      %mul3A_363 = arith.constant 32 : i32
      %mul3A_364 = vector.broadcast %mul3A_363 : i32 to vector<16xi32>
      %mul3A_365 = arith.muli %select_n3A_278, %mul3A_364 : vector<16xi32>
      %mul3A_366 = arith.constant 32 : i32
      %mul3A_367 = vector.broadcast %mul3A_366 : i32 to vector<16xi32>
      %mul3A_368 = arith.muli %select_n3A_284, %mul3A_367 : vector<16xi32>
      %mul3A_369 = arith.constant 32 : i32
      %mul3A_370 = vector.broadcast %mul3A_369 : i32 to vector<16xi32>
      %mul3A_371 = arith.muli %select_n3A_290, %mul3A_370 : vector<16xi32>
      %mul3A_372 = arith.constant 32 : i32
      %mul3A_373 = vector.broadcast %mul3A_372 : i32 to vector<16xi32>
      %mul3A_374 = arith.muli %select_n3A_296, %mul3A_373 : vector<16xi32>
      %mul3A_375 = arith.constant 32 : i32
      %mul3A_376 = vector.broadcast %mul3A_375 : i32 to vector<16xi32>
      %mul3A_377 = arith.muli %select_n3A_302, %mul3A_376 : vector<16xi32>
      %mul3A_378 = arith.constant 32 : i32
      %mul3A_379 = vector.broadcast %mul3A_378 : i32 to vector<16xi32>
      %mul3A_380 = arith.muli %select_n3A_308, %mul3A_379 : vector<16xi32>
      %mul3A_381 = arith.constant 32 : i32
      %mul3A_382 = vector.broadcast %mul3A_381 : i32 to vector<16xi32>
      %mul3A_383 = arith.muli %select_n3A_314, %mul3A_382 : vector<16xi32>
      %mul3A_384 = arith.constant 32 : i32
      %mul3A_385 = vector.broadcast %mul3A_384 : i32 to vector<16xi32>
      %mul3A_386 = arith.muli %select_n3A_320, %mul3A_385 : vector<16xi32>
      %mul3A_387 = arith.constant 32 : i32
      %mul3A_388 = vector.broadcast %mul3A_387 : i32 to vector<16xi32>
      %mul3A_389 = arith.muli %select_n3A_326, %mul3A_388 : vector<16xi32>
      %mul3A_390 = arith.constant 32 : i32
      %mul3A_391 = vector.broadcast %mul3A_390 : i32 to vector<16xi32>
      %mul3A_392 = arith.muli %select_n3A_332, %mul3A_391 : vector<16xi32>
      %mul3A_393 = arith.constant 32 : i32
      %mul3A_394 = vector.broadcast %mul3A_393 : i32 to vector<16xi32>
      %mul3A_395 = arith.muli %select_n3A_338, %mul3A_394 : vector<16xi32>
      %mul3A_396 = arith.constant 32 : i32
      %mul3A_397 = vector.broadcast %mul3A_396 : i32 to vector<16xi32>
      %mul3A_398 = arith.muli %gather3A_225, %mul3A_397 : vector<16xi32>
      %parallel_loop3A = arith.constant 0 : i32
      %parallel_loop3A_399 = arith.constant 32 : i32
      %parallel_loop3A_400 = arith.constant 1 : i32
      scf.for %parallel_loop3A_401 = %parallel_loop3A to %parallel_loop3A_399 step %parallel_loop3A_400  : i32 {
        %parallel_loop3A_402 = arith.constant 15 : i32
        %parallel_loop3A_403 = arith.andi %parallel_loop3A_401, %parallel_loop3A_402 : i32
        %parallel_loop3A_404 = arith.subi %parallel_loop3A_401, %parallel_loop3A_403 : i32
        %parallel_loop3A_405 = vector.broadcast %parallel_loop3A_403 : i32 to vector<16xi32>
        %parallel_loop3A_406 = arith.addi %parallel_loop3A_405, %iota3A : vector<16xi32>
        %parallel_loop3A_407 = arith.constant 15 : i32
        %parallel_loop3A_408 = vector.broadcast %parallel_loop3A_407 : i32 to vector<16xi32>
        %parallel_loop3A_409 = arith.andi %parallel_loop3A_406, %parallel_loop3A_408 : vector<16xi32>
        %parallel_loop3A_410 = vector.broadcast %parallel_loop3A_404 : i32 to vector<16xi32>
        %parallel_loop3A_411 = arith.addi %parallel_loop3A_410, %parallel_loop3A_409 : vector<16xi32>
        %parallel_loop3A_412 = arith.addi %mul3A_341, %parallel_loop3A_411 : vector<16xi32>
        %parallel_loop3A_413 = tpu.vector_load_idx %arg6[%parallel_loop3A_412] : memref<4096xi32, #tpu.memory_space<vmem>>[vector<16xi32>], vector<16xi32>,
        %parallel_loop3A_414 = arith.addi %mul3A_344, %parallel_loop3A_411 : vector<16xi32>
        %parallel_loop3A_415 = tpu.vector_load_idx %arg6[%parallel_loop3A_414] : memref<4096xi32, #tpu.memory_space<vmem>>[vector<16xi32>], vector<16xi32>,
        %parallel_loop3A_416 = vector.bitcast %parallel_loop3A_415 : vector<16xi32> to vector<32xbf16>
        %parallel_loop3A_417 = arith.addi %mul3A_347, %parallel_loop3A_411 : vector<16xi32>
        %parallel_loop3A_418 = tpu.vector_load_idx %arg6[%parallel_loop3A_417] : memref<4096xi32, #tpu.memory_space<vmem>>[vector<16xi32>], vector<16xi32>,
        %parallel_loop3A_419 = vector.bitcast %parallel_loop3A_418 : vector<16xi32> to vector<32xbf16>
        %parallel_loop3A_420 = arith.addi %mul3A_350, %parallel_loop3A_411 : vector<16xi32>
        %parallel_loop3A_421 = tpu.vector_load_idx %arg6[%parallel_loop3A_420] : memref<4096xi32, #tpu.memory_space<vmem>>[vector<16xi32>], vector<16xi32>,
        %parallel_loop3A_422 = vector.bitcast %parallel_loop3A_421 : vector<16xi32> to vector<32xbf16>
        %parallel_loop3A_423 = arith.addi %mul3A_353, %parallel_loop3A_411 : vector<16xi32>
        %parallel_loop3A_424 = tpu.vector_load_idx %arg6[%parallel_loop3A_423] : memref<4096xi32, #tpu.memory_space<vmem>>[vector<16xi32>], vector<16xi32>,
        %parallel_loop3A_425 = vector.bitcast %parallel_loop3A_424 : vector<16xi32> to vector<32xbf16>
        %parallel_loop3A_426 = arith.addi %mul3A_356, %parallel_loop3A_411 : vector<16xi32>
        %parallel_loop3A_427 = tpu.vector_load_idx %arg6[%parallel_loop3A_426] : memref<4096xi32, #tpu.memory_space<vmem>>[vector<16xi32>], vector<16xi32>,
        %parallel_loop3A_428 = vector.bitcast %parallel_loop3A_427 : vector<16xi32> to vector<32xbf16>
        %parallel_loop3A_429 = arith.addi %mul3A_359, %parallel_loop3A_411 : vector<16xi32>
        %parallel_loop3A_430 = tpu.vector_load_idx %arg6[%parallel_loop3A_429] : memref<4096xi32, #tpu.memory_space<vmem>>[vector<16xi32>], vector<16xi32>,
        %parallel_loop3A_431 = vector.bitcast %parallel_loop3A_430 : vector<16xi32> to vector<32xbf16>
        %parallel_loop3A_432 = arith.addi %mul3A_362, %parallel_loop3A_411 : vector<16xi32>
        %parallel_loop3A_433 = tpu.vector_load_idx %arg6[%parallel_loop3A_432] : memref<4096xi32, #tpu.memory_space<vmem>>[vector<16xi32>], vector<16xi32>,
        %parallel_loop3A_434 = vector.bitcast %parallel_loop3A_433 : vector<16xi32> to vector<32xbf16>
        %parallel_loop3A_435 = arith.addi %mul3A_365, %parallel_loop3A_411 : vector<16xi32>
        %parallel_loop3A_436 = tpu.vector_load_idx %arg6[%parallel_loop3A_435] : memref<4096xi32, #tpu.memory_space<vmem>>[vector<16xi32>], vector<16xi32>,
        %parallel_loop3A_437 = vector.bitcast %parallel_loop3A_436 : vector<16xi32> to vector<32xbf16>
        %parallel_loop3A_438 = arith.addi %mul3A_368, %parallel_loop3A_411 : vector<16xi32>
        %parallel_loop3A_439 = tpu.vector_load_idx %arg6[%parallel_loop3A_438] : memref<4096xi32, #tpu.memory_space<vmem>>[vector<16xi32>], vector<16xi32>,
        %parallel_loop3A_440 = vector.bitcast %parallel_loop3A_439 : vector<16xi32> to vector<32xbf16>
        %parallel_loop3A_441 = arith.addi %mul3A_371, %parallel_loop3A_411 : vector<16xi32>
        %parallel_loop3A_442 = tpu.vector_load_idx %arg6[%parallel_loop3A_441] : memref<4096xi32, #tpu.memory_space<vmem>>[vector<16xi32>], vector<16xi32>,
        %parallel_loop3A_443 = vector.bitcast %parallel_loop3A_442 : vector<16xi32> to vector<32xbf16>
        %parallel_loop3A_444 = arith.addi %mul3A_374, %parallel_loop3A_411 : vector<16xi32>
        %parallel_loop3A_445 = tpu.vector_load_idx %arg6[%parallel_loop3A_444] : memref<4096xi32, #tpu.memory_space<vmem>>[vector<16xi32>], vector<16xi32>,
        %parallel_loop3A_446 = vector.bitcast %parallel_loop3A_445 : vector<16xi32> to vector<32xbf16>
        %parallel_loop3A_447 = arith.addi %mul3A_377, %parallel_loop3A_411 : vector<16xi32>
        %parallel_loop3A_448 = tpu.vector_load_idx %arg6[%parallel_loop3A_447] : memref<4096xi32, #tpu.memory_space<vmem>>[vector<16xi32>], vector<16xi32>,
        %parallel_loop3A_449 = vector.bitcast %parallel_loop3A_448 : vector<16xi32> to vector<32xbf16>
        %parallel_loop3A_450 = arith.addi %mul3A_380, %parallel_loop3A_411 : vector<16xi32>
        %parallel_loop3A_451 = tpu.vector_load_idx %arg6[%parallel_loop3A_450] : memref<4096xi32, #tpu.memory_space<vmem>>[vector<16xi32>], vector<16xi32>,
        %parallel_loop3A_452 = vector.bitcast %parallel_loop3A_451 : vector<16xi32> to vector<32xbf16>
        %parallel_loop3A_453 = arith.addi %mul3A_383, %parallel_loop3A_411 : vector<16xi32>
        %parallel_loop3A_454 = tpu.vector_load_idx %arg6[%parallel_loop3A_453] : memref<4096xi32, #tpu.memory_space<vmem>>[vector<16xi32>], vector<16xi32>,
        %parallel_loop3A_455 = vector.bitcast %parallel_loop3A_454 : vector<16xi32> to vector<32xbf16>
        %parallel_loop3A_456 = arith.addi %mul3A_386, %parallel_loop3A_411 : vector<16xi32>
        %parallel_loop3A_457 = tpu.vector_load_idx %arg6[%parallel_loop3A_456] : memref<4096xi32, #tpu.memory_space<vmem>>[vector<16xi32>], vector<16xi32>,
        %parallel_loop3A_458 = vector.bitcast %parallel_loop3A_457 : vector<16xi32> to vector<32xbf16>
        %parallel_loop3A_459 = arith.addi %mul3A_389, %parallel_loop3A_411 : vector<16xi32>
        %parallel_loop3A_460 = tpu.vector_load_idx %arg6[%parallel_loop3A_459] : memref<4096xi32, #tpu.memory_space<vmem>>[vector<16xi32>], vector<16xi32>,
        %parallel_loop3A_461 = vector.bitcast %parallel_loop3A_460 : vector<16xi32> to vector<32xbf16>
        %parallel_loop3A_462 = arith.addi %mul3A_392, %parallel_loop3A_411 : vector<16xi32>
        %parallel_loop3A_463 = tpu.vector_load_idx %arg6[%parallel_loop3A_462] : memref<4096xi32, #tpu.memory_space<vmem>>[vector<16xi32>], vector<16xi32>,
        %parallel_loop3A_464 = vector.bitcast %parallel_loop3A_463 : vector<16xi32> to vector<32xbf16>
        %parallel_loop3A_465 = arith.addi %mul3A_395, %parallel_loop3A_411 : vector<16xi32>
        %parallel_loop3A_466 = tpu.vector_load_idx %arg6[%parallel_loop3A_465] : memref<4096xi32, #tpu.memory_space<vmem>>[vector<16xi32>], vector<16xi32>,
        %parallel_loop3A_467 = vector.bitcast %parallel_loop3A_466 : vector<16xi32> to vector<32xbf16>
        %parallel_loop3A_468 = arith.addf %parallel_loop3A_416, %parallel_loop3A_419 : vector<32xbf16>
        %parallel_loop3A_469 = arith.addf %parallel_loop3A_422, %parallel_loop3A_425 : vector<32xbf16>
        %parallel_loop3A_470 = arith.addf %parallel_loop3A_428, %parallel_loop3A_431 : vector<32xbf16>
        %parallel_loop3A_471 = arith.addf %parallel_loop3A_434, %parallel_loop3A_437 : vector<32xbf16>
        %parallel_loop3A_472 = arith.addf %parallel_loop3A_440, %parallel_loop3A_443 : vector<32xbf16>
        %parallel_loop3A_473 = arith.addf %parallel_loop3A_446, %parallel_loop3A_449 : vector<32xbf16>
        %parallel_loop3A_474 = arith.addf %parallel_loop3A_452, %parallel_loop3A_455 : vector<32xbf16>
        %parallel_loop3A_475 = arith.addf %parallel_loop3A_458, %parallel_loop3A_461 : vector<32xbf16>
        %parallel_loop3A_476 = arith.addf %parallel_loop3A_464, %parallel_loop3A_467 : vector<32xbf16>
        %parallel_loop3A_477 = arith.addf %parallel_loop3A_468, %parallel_loop3A_469 : vector<32xbf16>
        %parallel_loop3A_478 = arith.addf %parallel_loop3A_470, %parallel_loop3A_471 : vector<32xbf16>
        %parallel_loop3A_479 = arith.addf %parallel_loop3A_472, %parallel_loop3A_473 : vector<32xbf16>
        %parallel_loop3A_480 = arith.addf %parallel_loop3A_474, %parallel_loop3A_475 : vector<32xbf16>
        %parallel_loop3A_481 = arith.addf %parallel_loop3A_477, %parallel_loop3A_478 : vector<32xbf16>
        %parallel_loop3A_482 = arith.addf %parallel_loop3A_479, %parallel_loop3A_480 : vector<32xbf16>
        %parallel_loop3A_483 = arith.addf %parallel_loop3A_481, %parallel_loop3A_482 : vector<32xbf16>
        %parallel_loop3A_484 = arith.addf %parallel_loop3A_483, %parallel_loop3A_476 : vector<32xbf16>
        %parallel_loop3A_485 = arith.addi %mul3A_398, %parallel_loop3A_411 : vector<16xi32>
        %parallel_loop3A_486 = tpu.vector_load_idx %arg6[%parallel_loop3A_485] : memref<4096xi32, #tpu.memory_space<vmem>>[vector<16xi32>], vector<16xi32>,
        %parallel_loop3A_487 = vector.bitcast %parallel_loop3A_413 : vector<16xi32> to vector<32xbf16>
        %parallel_loop3A_488 = tpu.unpack_subelements %parallel_loop3A_487, 0 {pack_format = #tpu.pack_format<interleaved>} : vector<32xbf16> -> vector<16xf32>
        %parallel_loop3A_489 = tpu.unpack_subelements %parallel_loop3A_487, 1 {pack_format = #tpu.pack_format<interleaved>} : vector<32xbf16> -> vector<16xf32>
        %parallel_loop3A_490 = tpu.unpack_subelements %parallel_loop3A_484, 0 {pack_format = #tpu.pack_format<interleaved>} : vector<32xbf16> -> vector<16xf32>
        %parallel_loop3A_491 = tpu.unpack_subelements %parallel_loop3A_484, 1 {pack_format = #tpu.pack_format<interleaved>} : vector<32xbf16> -> vector<16xf32>
        %parallel_loop3A_492 = vector.bitcast %parallel_loop3A_486 : vector<16xi32> to vector<32xbf16>
        %parallel_loop3A_493 = tpu.unpack_subelements %parallel_loop3A_492, 0 {pack_format = #tpu.pack_format<interleaved>} : vector<32xbf16> -> vector<16xf32>
        %parallel_loop3A_494 = tpu.unpack_subelements %parallel_loop3A_492, 1 {pack_format = #tpu.pack_format<interleaved>} : vector<32xbf16> -> vector<16xf32>
        %parallel_loop3A_495 = arith.constant 2 : i32
        %parallel_loop3A_496 = vector.broadcast %parallel_loop3A_495 : i32 to vector<16xi32>
        %parallel_loop3A_497 = arith.muli %parallel_loop3A_411, %parallel_loop3A_496 : vector<16xi32>
        tpu.vector_store_idx %arg7[%select_n3A, %sub3A_41, %parallel_loop3A_497], %parallel_loop3A_488 : memref<8x50x192xf32, #tpu.memory_space<vmem>>[vector<16xi32>, vector<16xi32>, vector<16xi32>], vector<16xf32>,
        %parallel_loop3A_498 = arith.constant 1 : i32
        %parallel_loop3A_499 = vector.broadcast %parallel_loop3A_498 : i32 to vector<16xi32>
        %parallel_loop3A_500 = arith.addi %parallel_loop3A_497, %parallel_loop3A_499 : vector<16xi32>
        tpu.vector_store_idx %arg7[%select_n3A, %sub3A_41, %parallel_loop3A_500], %parallel_loop3A_489 : memref<8x50x192xf32, #tpu.memory_space<vmem>>[vector<16xi32>, vector<16xi32>, vector<16xi32>], vector<16xf32>,
        %parallel_loop3A_501 = arith.constant 64 : i32
        %parallel_loop3A_502 = vector.broadcast %parallel_loop3A_501 : i32 to vector<16xi32>
        %parallel_loop3A_503 = arith.addi %parallel_loop3A_497, %parallel_loop3A_502 : vector<16xi32>
        tpu.vector_store_idx %arg7[%select_n3A, %sub3A_41, %parallel_loop3A_503], %parallel_loop3A_490 : memref<8x50x192xf32, #tpu.memory_space<vmem>>[vector<16xi32>, vector<16xi32>, vector<16xi32>], vector<16xf32>,
        %parallel_loop3A_504 = arith.constant 65 : i32
        %parallel_loop3A_505 = vector.broadcast %parallel_loop3A_504 : i32 to vector<16xi32>
        %parallel_loop3A_506 = arith.addi %parallel_loop3A_497, %parallel_loop3A_505 : vector<16xi32>
        tpu.vector_store_idx %arg7[%select_n3A, %sub3A_41, %parallel_loop3A_506], %parallel_loop3A_491 : memref<8x50x192xf32, #tpu.memory_space<vmem>>[vector<16xi32>, vector<16xi32>, vector<16xi32>], vector<16xf32>,
        %parallel_loop3A_507 = arith.constant 128 : i32
        %parallel_loop3A_508 = vector.broadcast %parallel_loop3A_507 : i32 to vector<16xi32>
        %parallel_loop3A_509 = arith.addi %parallel_loop3A_497, %parallel_loop3A_508 : vector<16xi32>
        tpu.vector_store_idx %arg7[%select_n3A, %sub3A_41, %parallel_loop3A_509], %parallel_loop3A_493 : memref<8x50x192xf32, #tpu.memory_space<vmem>>[vector<16xi32>, vector<16xi32>, vector<16xi32>], vector<16xf32>,
        %parallel_loop3A_510 = arith.constant 129 : i32
        %parallel_loop3A_511 = vector.broadcast %parallel_loop3A_510 : i32 to vector<16xi32>
        %parallel_loop3A_512 = arith.addi %parallel_loop3A_497, %parallel_loop3A_511 : vector<16xi32>
        tpu.vector_store_idx %arg7[%select_n3A, %sub3A_41, %parallel_loop3A_512], %parallel_loop3A_494 : memref<8x50x192xf32, #tpu.memory_space<vmem>>[vector<16xi32>, vector<16xi32>, vector<16xi32>], vector<16xf32>,
      } {sc.loop_unroll_factor = 8 : i64, sc.parallel_access}
    }
    %scan3A_7 = arith.constant 25 : i32
    %mul3A_8 = arith.constant 8 : i32
    %mul3A_9 = arith.muli %add3A, %mul3A_8 : i32
    "tpu.region"() ({
      %run_scoped3A = tpu.sem_alloc : memref<!tpu.dma_semaphore, #tpu.memory_space<semaphore_mem>>
      %dma_start3A = arith.constant 0 : i32
      %dma_start3A_10 = arith.constant 0 : i32
      %dma_start3A_11 = tpu.memref_slice %arg4[%mul3A_9, %dma_start3A, %dma_start3A_10] : memref<256x50x192xf32, #tpu.memory_space<hbm>> -> memref<8x50x192xf32, #tpu.memory_space<hbm>>
      %dma_start3A_12 = arith.constant 0 : i32
      %dma_start3A_13 = arith.constant 0 : i32
      %dma_start3A_14 = tpu.memref_slice %arg4[%mul3A_9, %dma_start3A_12, %dma_start3A_13] : memref<256x50x192xf32, #tpu.memory_space<hbm>> -> memref<8x50x192xf32, #tpu.memory_space<hbm>>
      tpu.enqueue_dma source(%arg7 : memref<8x50x192xf32, #tpu.memory_space<vmem>>) target(%dma_start3A_14 : memref<8x50x192xf32, #tpu.memory_space<hbm>>) target_semaphore(%run_scoped3A : memref<!tpu.dma_semaphore, #tpu.memory_space<semaphore_mem>>)
      %dma_wait3A = arith.constant 0 : i32
      %dma_wait3A_15 = arith.constant 0 : i32
      %dma_wait3A_16 = tpu.memref_slice %arg4[%mul3A_9, %dma_wait3A, %dma_wait3A_15] : memref<256x50x192xf32, #tpu.memory_space<hbm>> -> memref<8x50x192xf32, #tpu.memory_space<hbm>>
      %dma_wait3A_17 = arith.constant 0 : i32
      %dma_wait3A_18 = arith.constant 0 : i32
      %dma_wait3A_19 = tpu.memref_slice %arg4[%mul3A_9, %dma_wait3A_17, %dma_wait3A_18] : memref<256x50x192xf32, #tpu.memory_space<hbm>> -> memref<8x50x192xf32, #tpu.memory_space<hbm>>
      tpu.wait_dma2 semaphore(%run_scoped3A : memref<!tpu.dma_semaphore, #tpu.memory_space<semaphore_mem>>) src(%arg7 : memref<8x50x192xf32, #tpu.memory_space<vmem>>) dst(%dma_wait3A_19 : memref<8x50x192xf32, #tpu.memory_space<hbm>>)
      tpu.yield
    }) : () -> ()
    return
  }
}

</mosaic_0001>

<sc_bundles>
// kernel: kernel.3.cloned.1.call-start
scs
__scs_entry_jumppad:
0x0: {  	(pc) =	sbr.rel $0x88, $3  }
0x1: {  	(tag) =	ssettag $0x0;
	lr =	simm.s32 $0x1  }
0x2: {  	[smem:$0x3F9F] =	sst lr;
	_ =	strace $0xD0000000  }
0x3: {  	_ = 	snop  }
0x4: {  	_ = 	snop  }
0x5: {  	_ = 	snop  }
0x6: {  	_ = 	snop  }
0x7: {  	_ = 	snop  }
__scs_overlays_trampoline_lowered:
0x8: {  	[smem:$0x3FAE] =	sst s0  }
0x9: {  	[smem:$0x3FAF] =	sst s1  }
0xa: {  	[smem:$0x3FB0] =	sst s2  }
0xb: {  	[smem:$0x3FB1] =	sst s3  }
0xc: {  	[smem:$0x3FB2] =	sst s4  }
0xd: {  	[smem:$0x3FB3] =	sst s5  }
0xe: {  	[smem:$0x3FB4] =	sst s6  }
0xf: {  	[smem:$0x3FB5] =	sst s7  }
0x10: {  	[smem:$0x3FB6] =	sst s8  }
0x11: {  	[smem:$0x3FB7] =	sst s9;
	s0 =	simm.s32 @!p0 $0x0  }
0x12: {  	s1 =	sld [smem:$0x3F9D];
	s0 =	simm.s32 @p0 $0x1  }
0x13: {  	[smem:$0x3FB8] =	sst s0;
	s0 =	simm.s32 @!p1 $0x0  }
0x14: {  	s2 =	sld [smem:$0x3F9C];
	s0 =	simm.s32 @p1 $0x1  }
0x15: {  	[smem:$0x3FB9] =	sst s0;
	s0 =	simm.s32 @!p2 $0x0  }
0x16: {  	s3 =	sld [smem:$0x3FDB];
	s0 =	simm.s32 @p2 $0x1  }
0x17: {  	s4 =	simm.s32 $0x1BF5;
	[smem:$0x3FBB] =	sst s0  }
0x18: {  	s0 =	sld [smem:$0x3F9E];
	_ =	swait.ge [sflag:s4], $0x0  }
0x19: {  	s7 =	sld [smem:$0x3F9F]  }
0x1a: {  	s8 =	sadd.s32 $0xFFFFE003, lr  }
0x1b: {  	s9 =	sadd.s32 $0xFFFFFEF7, lr;
	s5 =	simm.s32 $0xFFFFFFFF;
	p2 =	slt.u32 s8, $0xFFFFF086  }
0x1c: {  	p1 =	slt.u32 s9, $0xF7A;
	s5 =	simm.s32 @!p2 $0x0  }
0x1d: {  	s5 =	simm.s32 @p1 $0x1;
	p0 =	seq.s32 s7, s2  }
0x1e: {  	s7 =	smul.u32 @!p0 $0xF7A, s2;
	p2 =	seq.s32 @!p0 s5, $0x0  }
0x1f: {  	s9 =	smul.u32 $0xF7A, s1;
	s8 =	simm.s32 @!p0 $0x1BF5;
	p2 =	por !p2, p0  }
0x20: {  	[sflag:s8] =	ssyncset.s32 @!p0 $0xFFFFF086;
	s6 =	sadd.s32 @!p0 s3, s7;
	s7 =	simm.s32 @!p0 $0x108  }
0x21: {  	s3 =	sadd.s32 s3, s9;
	s6 =	sadd.s32 @!p0 $0x88, s6;
	s7 =	simm.s32 @p2 $0x1082  }
0x22: {  	[simem:s7], [sflag:s8] =	dma.local @!p0 [hbm:s6], $0xF7A  }
0x23: {  	s9 =	sor.u32 $0xD0000000, s2;
	s6 =	simm.s32 $0x108;
	_ =	swait.ge @!p0 [sflag:s8], $0x0  }
0x24: {  	s3 =	sadd.s32 $0x88, s3;
	s6 =	simm.s32 @!p1 $0x1082;
	[sflag:s4] =	ssyncset.s32 $0xFFFFF086  }
0x25: {  	[simem:s6], [sflag:s4] =	dma.local [hbm:s3], $0xF7A  }
0x26: {  	[smem:$0x3F9F] =	sst s1;
	(tag) =	ssettag s2;
	_ =	strace s9  }
0x27: {  	s1 =	sld [smem:$0x3FAF]  }
0x28: {  	s2 =	sld [smem:$0x3FB0]  }
0x29: {  	s4 =	sld [smem:$0x3FB2]  }
0x2a: {  	p0 =	seq.s32 s5, $0x0;
	s5 =	sld [smem:$0x3FB3]  }
0x2b: {  	s6 =	sld [smem:$0x3FB4]  }
0x2c: {  	s7 =	sld [smem:$0x3FB5]  }
0x2d: {  	s3 =	simm.s32 $0x108;
	s8 =	sld [smem:$0x3FB6]  }
0x2e: {  	s3 =	simm.s32 @!p0 $0x1082;
	s9 =	sld [smem:$0x3FB7]  }
0x2f: {  	lr =	sadd.s32 s0, s3;
	s0 =	sld [smem:$0x3FAE]  }
0x30: {  	s3 =	sld [smem:$0x3FB1]  }
0x31: {  	[smem:$0x3FBA] =	sst s10  }
0x32: {  	s10 =	sld [smem:$0x3FB8];
	_ =	sdelay $0x3  }
0x33: {  	p0 =	seq.s32 s10, $0x1;
	s10 =	sld [smem:$0x3FBA];
	_ =	sdelay $0x3  }
0x34: {  	[smem:$0x3FBA] =	sst s10  }
0x35: {  	s10 =	sld [smem:$0x3FB9];
	_ =	sdelay $0x3  }
0x36: {  	p1 =	seq.s32 s10, $0x1;
	s10 =	sld [smem:$0x3FBA];
	_ =	sdelay $0x3  }
0x37: {  	[smem:$0x3FBA] =	sst s10  }
0x38: {  	s10 =	sld [smem:$0x3FBB]  }
0x39: {  	_ = 	snop;
	(pc) =	sbr.ind lr, $3  }
0x3a: {  	_ = 	snop  }
0x3b: {  	_ = 	snop  }
0x3c: {  	p2 =	seq.s32 s10, $0x1;
	s10 =	sld [smem:$0x3FBA]  }
0x3d: {  	_ =	shalt  }
0x3e: {  	_ =	shalt  }
0x3f: {  	_ =	shalt  }
0x40: {  	_ =	shalt  }
0x41: {  	_ =	shalt  }
0x42: {  	_ =	shalt  }
0x43: {  	_ =	shalt  }
0x44: {  	_ =	shalt  }
0x45: {  	_ =	shalt  }
0x46: {  	_ =	shalt  }
0x47: {  	_ =	shalt  }
0x48: {  	_ =	shalt  }
0x49: {  	_ =	shalt  }
0x4a: {  	_ =	shalt  }
0x4b: {  	_ =	shalt  }
0x4c: {  	_ =	shalt  }
0x4d: {  	_ =	shalt  }
0x4e: {  	_ =	shalt  }
0x4f: {  	_ =	shalt  }
0x50: {  	_ =	shalt  }
0x51: {  	_ =	shalt  }
0x52: {  	_ =	shalt  }
0x53: {  	_ =	shalt  }
0x54: {  	_ =	shalt  }
0x55: {  	_ =	shalt  }
0x56: {  	_ =	shalt  }
0x57: {  	_ =	shalt  }
0x58: {  	_ =	shalt  }
0x59: {  	_ =	shalt  }
0x5a: {  	_ =	shalt  }
0x5b: {  	_ =	shalt  }
0x5c: {  	_ =	shalt  }
0x5d: {  	_ =	shalt  }
0x5e: {  	_ =	shalt  }
0x5f: {  	_ =	shalt  }
0x60: {  	_ =	shalt  }
0x61: {  	_ =	shalt  }
0x62: {  	_ =	shalt  }
0x63: {  	_ =	shalt  }
0x64: {  	_ =	shalt  }
0x65: {  	_ =	shalt  }
0x66: {  	_ =	shalt  }
0x67: {  	_ =	shalt  }
0x68: {  	_ =	shalt  }
0x69: {  	_ =	shalt  }
0x6a: {  	_ =	shalt  }
0x6b: {  	_ =	shalt  }
0x6c: {  	_ =	shalt  }
0x6d: {  	_ =	shalt  }
0x6e: {  	_ =	shalt  }
0x6f: {  	_ =	shalt  }
0x70: {  	_ =	shalt  }
0x71: {  	_ =	shalt  }
0x72: {  	_ =	shalt  }
0x73: {  	_ =	shalt  }
0x74: {  	_ =	shalt  }
0x75: {  	_ =	shalt  }
0x76: {  	_ =	shalt  }
0x77: {  	_ =	shalt  }
0x78: {  	_ =	shalt  }
0x79: {  	_ =	shalt  }
0x7a: {  	_ =	shalt  }
0x7b: {  	_ =	shalt  }
0x7c: {  	_ =	shalt  }
0x7d: {  	_ =	shalt  }
0x7e: {  	_ =	shalt  }
0x7f: {  	_ =	shalt  }
0x80: {  	_ =	shalt  }
0x81: {  	_ =	shalt  }
0x82: {  	_ =	shalt  }
0x83: {  	_ =	shalt  }
0x84: {  	_ =	shalt  }
0x85: {  	_ =	shalt  }
0x86: {  	_ =	shalt  }
0x87: {  	_ =	shalt  }
.Lfunc_end0:
.L_simem_size_0:
called_computation_lowered:
.L_overlay_start_0:
0x88: {  	s2 =	sld [smem:$0x3FD9]  }
0x89: {  	s3 =	sld [smem:$0x3FFE];
	_ =	sdelay $0x1  }
0x8a: {  	s1 =	srdreg.scid  }
0x8b: {  	s0 =	sand.u32 $0x1, s1  }
0x8c: {  	s17 =	sshll.u32 s0, $0xA;
	s2 =	sadd.s32 s3, s2  }
0x8d: {  	s2 =	sadd.s32 s2, s17  }
0x8e: {  	[smem:$0x3FC6] =	sst s2  }
0x8f: {  	_ = 	snop  }
0x90: {  	s2 =	sld [smem:$0x3FD0];
	(tm) =	ssettm $0x1  }
0x91: {  	s18 =	sld [smem:$0x3FFB];
	_ =	sdelay $0x3  }
0x92: {  	_ =	strace s18  }
0x93: {  	s3 =	sld [smem:$0x3FFC];
	_ =	sdelay $0x3  }
0x94: {  	_ =	strace s3  }
0x95: {  	s3 =	sld [smem:$0x3FFD];
	_ =	sdelay $0x3  }
0x96: {  	_ =	strace s3  }
0x97: {  	_ =	strace $0x8FFFFFFF  }
0x98: {  	s19 =	sld [smem:$0x3FDB];
	_ =	sdelay $0x1  }
0x99: {  	s4 =	simm.s32 $_scs_section_size  }
0x9a: {  	s5 =	simm.s32 $_size__tile_overlayer_lowered;
	s6 =	simm.s32 $_tile_overlayer_lowered  }
0x9b: {  	s22 =	simm.s32 $0x1BFF;
	s21 =	sshll.u32 s6, $0x1;
	s3 =	sadd.s32 s4, s19  }
0x9c: {  	s7 =	simm.s32 $0x0;
	s20 =	sshll.u32 s5, $0x1;
	s5 =	sadd.s32 s21, s3  }
0x9d: {  	[timem:s7], [sflag:s22] =	dma.local [hbm:s5], s20  }
0x9e: {  	_ =	swait.ge [sflag:s22], s20  }
0x9f: {  	s4 =	ssub.s32 $0x0, s20;
	[sflag:s22] =	ssyncset.done $0x0  }
0xa0: {  	[sflag:s22] =	ssyncadd.s32 s4;
	_ =	sdelay $0x1  }
0xa1: {  	s23 =	simm.s32 $0x1B8B  }
0xa2: {  	_ =	swait.ge [sflag:s23], $0x1  }
0xa3: {  	[sflag:s23] =	ssyncset.done $0x0  }
0xa4: {  	s25 =	simm.s32 $0x1B8E;
	s24 =	sld [smem:$0x3FFE];
	[sflag:s23] =	ssyncadd.s32 $0xFFFFFFFF  }
0xa5: {  	s26 =	simm.s32 $execute0_lowered;
	[smem:$0x3FD2] =	sst s25  }
0xa6: {  	s5 =	sshll.u32 s26, $0x1;
	_ =	strace $0x80000046;
	[dreg:$0x1] =	wrdreg $0xFFFFFFFF  }
0xa7: {  	s28 =	simm.s32 $_size_execute0_lowered;
	s3 =	sadd.s32 s3, s5;
	[dreg:$0x0] =	wrdreg $0x0  }
0xa8: {  	s5 =	sshll.u32 s28, $0x1;
	[dreg:$0x2] =	wrdreg s3  }
0xa9: {  	[dreg:$0x3] =	wrdreg s5  }
0xaa: {  	[dreg:$0x4] =	wrdreg $0xC0  }
0xab: {  	_ =	task [dreg:s7], $0x5FFFF  }
0xac: {  	[dreg:$0x1] =	wrdreg $0xFFFFFFFF  }
0xad: {  	[dreg:$0x0] =	wrdreg $0x60  }
0xae: {  	[dreg:$0x2] =	wrdreg s2  }
0xaf: {  	[dreg:$0x3] =	wrdreg s24  }
0xb0: {  	[dreg:$0x4] =	wrdreg $0x9  }
0xb1: {  	_ =	task.clear_ibuf [dreg:s7], $0x5FFFF;
	_ =	strace $0x90000046  }
0xb2: {  	s29 =	simm.s32 $0x9;
	_ =	strace $0x80000048  }
0xb3: {  	_ =	swait.ge [sflag:s29], $0x1  }
0xb4: {  	[sflag:s29] =	ssyncadd.s32 $0xFFFFFFFF  }
0xb5: {  	_ =	strace $0x90000048  }
0xb6: {  	_ =	sfence  }
0xb7: {  	s30 =	sld [smem:$0x0];
	_ =	sdelay $0x2  }
0xb8: {  	s31 =	sshll.u32 s1, $0xD;
	s1 =	sshrl.u32 s1, $0x2  }
0xb9: {  	s3 =	sand.u32 $0x4000, s31;
	s1 =	sadd.s32 s1, s30  }
0xba: {  	s0 =	sor.u32 s3, s0;
	s1 =	sshll.u32 s1, $0x11  }
0xbb: {  	s0 =	sor.u32 s1, s0  }
0xbc: {  	s0 =	sadd.s32 $0x8F2B, s0  }
0xbd: {  	[sflag:s0] =	ssyncadd.remote.s32 $0x1  }
0xbe: {  	_ =	sfence.sel $0xFFFF  }
0xbf: {  	[dreg:$0x0] =	wrdreg $0xFFFFFFFF;
	(pc) =	sbr.abs _section_cstart, $3  }
0xc0: {  	[dreg:$0x1] =	wrdreg $0xFFFFFFFF  }
0xc1: {  	_ =	task.clear_ibuf [dreg:s7], $0x2FFFF;
	_ =	strace $0x9FFFFFFF  }
0xc2: {  	(tm) =	ssettm $0x7FFFFFFF  }
0xc3: {  	_ =	shalt  }
tec
execute0_lowered:
.L_overlay_start_1:
0x0: {  	(tag) =	ssettag $0x1  }
0x1: {  	s1 =	srdreg.scid;
	s4 =	rddreg [dreg:$0x0]  }
0x2: {  	s0 =	stileid.u32;
	s2 =	rddreg [dreg:$0x1]  }
0x3: {  	s3 =	simm.s32 $0x0;
	s9 =	simm.s32 $0x3000;
	s5 =	sand.u32 $0x1, s1  }
0x4: {  	s10 =	simm.s32 $0x0;
	s6 =	sshll.u32 s0, $0x4;
	s7 =	sshll.u32 s5, $0x3  }
0x5: {  	s1 =	rddreg [dreg:$0x2];
	s5 =	ssub.s32 $0x2, s5;
	s6 =	sor.u32 s7, s6  }
0x6: {  	[smem:$0x7FF] =	sst s3;
	s8 =	sshrl.u32 s5, $0x1;
	s7 =	smul.u32 $0x700, s6  }
0x7: {  	_ =	strace $0x80000047;
	s6 =	sshll.u32 s6, $0x7;
	s8 =	ssub.s32 s5, s8  }
0x8: {  	s4 =	sadd.s32 s4, s6;
	s6 =	smax.u32 s8, $0x1;
	s7 =	sadd.s32 s7, s2  }
0x9: {  	v0 =	vlaneseq.u32;
	s8 =	simm.s32 $0x2000;
	s5 =	sadd.s32 $0x200, s7;
	s7 =	simm.s32 $0x1  }
.LBB2_1:
0xa: {  	[tilespmem:s3], [sflag:$0x1] =	stream.linear.gather [hbm4b:s4+s3], $0x2000, $0x38;
	[tilespmem:$0x1F000] =	vst v63  }
0xb: {  	_ =	swait.ge [sflag:s7], $0x2000  }
0xc: {  	[sflag:s7] =	ssyncset.done $0x0  }
0xd: {  	[sflag:s7] =	ssyncadd.s32 $0xFFFFE000  }
0xe: {  	[tilespmem:s8], [sflag:$0x1] =	stream.linear.gather [hbm4b:s2+s3], $0x1000, $0x38;
	[tilespmem:$0x1F000] =	vst v63  }
0xf: {  	_ =	swait.ge [sflag:s7], $0x1000  }
0x10: {  	[sflag:s7] =	ssyncset.done $0x0  }
0x11: {  	s11 =	simm.s32 $0x0;
	[sflag:s7] =	ssyncadd.s32 $0xFFFFF000  }
.LBB2_2:
0x12: {  	s12 =	sshll.u32 s11, $0x4  }
0x13: {  	v2 =	vmov s12  }
0x14: {  	v2 =	vbroadcast v2, $0x0;
	_ =	sdelay $0x1  }
0x15: {  	v3 =	vor.u32 v0, v2  }
0x16: {  	v4 =	vmulhi.u32 $0x51EB851F, v3;
	_ =	sdelay $0x1  }
0x17: {  	v4 =	vshrl.u32 v4, $0x4  }
0x18: {  	v5 =	vmul.u32 $0xFFFFFFCE, v4  }
0x19: {  	v6 =	vsub.s32 $0x0, v3  }
0x1a: {  	vm0 =	veq.s32 v2, v0;
	vm1 =	vne.s32 v5, v6  }
0x1b: {  	v1 =	vimm.s32 $0x0;
	vm0 =	vmand vm0, vm1  }
0x1c: {  	v2 =	vsel vm0, $0xFFFFFFFF, v1  }
0x1d: {  	v20 =	vadd.s32 v2, v4  }
0x1e: {  	v2 =	vmul.u32 $0xFFFFFFCE, v20;
	_ =	sdelay $0x1  }
0x1f: {  	v19 =	vadd.s32 v3, v2  }
0x20: {  	v3 =	vshll.u32 v20, $0xA;
	v2 =	vmul.u32 $0x14, v19;
	v4 =	vmul.u32 $0xA0, v19  }
0x21: {  	v6 =	vshll.u32 v20, $0x7;
	v3 =	vand.u32 $0xFFFFE000, v3  }
0x22: {  	v5 =	vand.u32 $0x7C, v2;
	v7 =	vand.u32 $0xFFFFFC00, v4;
	v4 =	vand.u32 $0x380, v6  }
0x23: {  	v6 =	vadd.s32 v3, v7;
	v5 =	vor.u32 v4, v5;
	v7 =	vadd.s32 $0x4, v2  }
0x24: {  	v5 =	vor.u32 v6, v5;
	v6 =	vshll.u32 v7, $0x3  }
0x25: {  	v10 =	vadd.s32 $0x5, v2;
	v7 =	vand.u32 $0x7C, v7;
	v6 =	vand.u32 $0xFFFFFC00, v6  }
0x26: {  	v8 =	vor.u32 $0x1, v5;
	v9 =	vor.u32 $0x2, v5;
	v6 =	vadd.s32 v3, v6  }
0x27: {  	v11 =	vor.u32 $0x3, v5;
	v6 =	vor.u32 v7, v6;
	v7 =	vshll.u32 v10, $0x3  }
0x28: {  	v12 =	vor.u32 v4, v6;
	v6 =	vand.u32 $0xFFFFFC00, v7;
	v7 =	vadd.s32 $0x6, v2  }
0x29: {  	v10 =	vand.u32 $0x7D, v10;
	v6 =	vadd.s32 v3, v6;
	v13 =	vshll.u32 v7, $0x3  }
0x2a: {  	v6 =	vor.u32 v10, v6;
	v10 =	vand.u32 $0xFFFFFC00, v13;
	v13 =	vadd.s32 $0x7, v2  }
0x2b: {  	v7 =	vand.u32 $0x7E, v7;
	v10 =	vadd.s32 v3, v10;
	v14 =	vshll.u32 v13, $0x3  }
0x2c: {  	v15 =	vor.u32 v4, v6;
	v6 =	vor.u32 v7, v10;
	v7 =	vand.u32 $0xFFFFFC00, v14  }
0x2d: {  	v10 =	vand.u32 $0x7F, v13;
	v13 =	vadd.s32 $0x8, v2;
	v7 =	vadd.s32 v3, v7  }
0x2e: {  	v14 =	vor.u32 v4, v6;
	v6 =	vor.u32 v10, v7;
	v7 =	vshll.u32 v13, $0x3  }
0x2f: {  	v16 =	vor.u32 v4, v6;
	v6 =	vand.u32 $0xFFFFFC00, v7;
	v7 =	vadd.s32 $0x9, v2  }
0x30: {  	v10 =	vand.u32 $0x7C, v13;
	v6 =	vadd.s32 v3, v6;
	v13 =	vshll.u32 v7, $0x3  }
0x31: {  	v6 =	vor.u32 v10, v6;
	v10 =	vand.u32 $0xFFFFFC00, v13;
	v13 =	vadd.s32 $0xA, v2  }
0x32: {  	v7 =	vand.u32 $0x7D, v7;
	v10 =	vadd.s32 v3, v10;
	v17 =	vshll.u32 v13, $0x3  }
0x33: {  	v18 =	vor.u32 v4, v6;
	v6 =	vor.u32 v7, v10;
	v7 =	vand.u32 $0xFFFFFC00, v17  }
0x34: {  	v10 =	vand.u32 $0x7E, v13;
	v13 =	vadd.s32 $0xB, v2;
	v7 =	vadd.s32 v3, v7  }
0x35: {  	v5 =	vld.idx.msk [tilespmem:v5+s3+$0x0], $0xffff;
	v17 =	vor.u32 v4, v6;
	v7 =	vor.u32 v10, v7;
	v10 =	vshll.u32 v13, $0x3  }
0x36: {  	v6 =	vld.idx.msk [tilespmem:v8+s3+$0x0], $0xffff;
	v8 =	vadd.s32 $0xC, v2;
	v21 =	vor.u32 v4, v7;
	v7 =	vand.u32 $0xFFFFFC00, v10  }
0x37: {  	v22 =	vshll.u32 v8, $0x3;
	v10 =	vand.u32 $0x7F, v13;
	v13 =	vadd.s32 v3, v7  }
0x38: {  	v7 =	vld.idx.msk [tilespmem:v9+s3+$0x0], $0xffff;
	v9 =	vor.u32 v10, v13;
	v10 =	vand.u32 $0xFFFFFC00, v22;
	v13 =	vadd.s32 $0xD, v2  }
0x39: {  	v22 =	vand.u32 $0x7C, v8;
	v10 =	vadd.s32 v3, v10;
	v23 =	vshll.u32 v13, $0x3  }
0x3a: {  	v8 =	vld.idx.msk [tilespmem:v11+s3+$0x0], $0xffff;
	v11 =	vor.u32 v4, v9;
	v13 =	vand.u32 $0x7D, v13;
	v9 =	vand.u32 $0xFFFFFC00, v23  }
0x3b: {  	vm14 =	vgt.s32 v6, v5;
	v10 =	vor.u32 v22, v10;
	v22 =	vadd.s32 v3, v9  }
0x3c: {  	v9 =	vld.idx.msk [tilespmem:v12+s3+$0x0], $0xffff;
	v12 =	vor.u32 v4, v10;
	v10 =	vor.u32 v13, v22;
	v13 =	vsel vm14, v6, v5  }
0x3d: {  	v24 =	vadd.s32 $0xF, v2;
	v26 =	vadd.s32 $0x11, v2;
	vm0 =	vgt.s32 v7, v13  }
0x3e: {  	v23 =	vadd.s32 $0xE, v2;
	v22 =	vor.u32 v4, v10;
	v10 =	vld.idx.msk [tilespmem:v15+s3+$0x0], $0xffff;
	v13 =	vsel vm0, v7, v13  }
0x3f: {  	v15 =	vand.u32 $0x7E, v23;
	v23 =	vshll.u32 v23, $0x3;
	vm15 =	vgt.s32 v8, v13  }
0x40: {  	v25 =	vshll.u32 v24, $0x3;
	v14 =	vld.idx.msk [tilespmem:v14+s3+$0x0], $0xffff;
	v23 =	vand.u32 $0xFFFFFC00, v23;
	v13 =	vsel vm15, v8, v13  }
0x41: {  	v24 =	vand.u32 $0x7F, v24;
	v23 =	vadd.s32 v3, v23;
	vm2 =	vgt.s32 v9, v13  }
0x42: {  	v16 =	vld.idx.msk [tilespmem:v16+s3+$0x0], $0xffff;
	v15 =	vor.u32 v15, v23;
	v23 =	vand.u32 $0xFFFFFC00, v25;
	v13 =	vsel vm2, v9, v13  }
0x43: {  	v27 =	vshll.u32 v26, $0x3;
	v23 =	vadd.s32 v3, v23;
	vm3 =	vgt.s32 v10, v13  }
0x44: {  	v18 =	vld.idx.msk [tilespmem:v18+s3+$0x0], $0xffff;
	v23 =	vor.u32 v24, v23;
	v24 =	vadd.s32 $0x10, v2;
	v13 =	vsel vm3, v10, v13  }
0x45: {  	v25 =	vand.u32 $0x7C, v24;
	v24 =	vshll.u32 v24, $0x3;
	vm4 =	vgt.s32 v14, v13  }
0x46: {  	v26 =	vand.u32 $0x7D, v26;
	v17 =	vld.idx.msk [tilespmem:v17+s3+$0x0], $0xffff;
	v24 =	vand.u32 $0xFFFFFC00, v24;
	v13 =	vsel vm4, v14, v13  }
0x47: {  	v15 =	vor.u32 v4, v15;
	v24 =	vadd.s32 v3, v24;
	vm5 =	vgt.s32 v16, v13  }
0x48: {  	v21 =	vld.idx.msk [tilespmem:v21+s3+$0x0], $0xffff;
	v24 =	vor.u32 v25, v24;
	v25 =	vand.u32 $0xFFFFFC00, v27;
	v13 =	vsel vm5, v16, v13  }
0x49: {  	v23 =	vor.u32 v4, v23;
	v25 =	vadd.s32 v3, v25;
	vm6 =	vgt.s32 v18, v13  }
0x4a: {  	v27 =	vld.idx.msk [tilespmem:v11+s3+$0x0], $0xffff;
	v11 =	vor.u32 v4, v24;
	v24 =	vor.u32 v26, v25;
	v13 =	vsel vm6, v18, v13  }
0x4b: {  	v25 =	vadd.s32 $0x12, v2;
	v26 =	vsel vm0, $0x1, v1;
	vm9 =	vgt.s32 v17, v13  }
0x4c: {  	v28 =	vld.idx.msk [tilespmem:v12+s3+$0x0], $0xffff;
	v12 =	vor.u32 v4, v24;
	v24 =	vshll.u32 v25, $0x3;
	v13 =	vsel vm9, v17, v13  }
0x4d: {  	v26 =	vsel vm15, $0x2, v26;
	v24 =	vand.u32 $0xFFFFFC00, v24;
	vm10 =	vgt.s32 v21, v13  }
0x4e: {  	v22 =	vld.idx.msk [tilespmem:v22+s3+$0x0], $0xffff;
	v25 =	vand.u32 $0x7E, v25;
	v24 =	vadd.s32 v3, v24;
	v13 =	vsel vm10, v21, v13  }
0x4f: {  	v24 =	vor.u32 v25, v24;
	v25 =	vsel vm2, $0x3, v26;
	vm11 =	vgt.s32 v27, v13  }
0x50: {  	v26 =	vld.idx.msk [tilespmem:v15+s3+$0x0], $0xffff;
	v15 =	vor.u32 v4, v24;
	v24 =	vadd.s32 $0x13, v2;
	v13 =	vsel vm11, v27, v13  }
0x51: {  	v29 =	vshll.u32 v24, $0x3;
	vm12 =	vgt.s32 v28, v13  }
0x52: {  	v23 =	vld.idx.msk [tilespmem:v23+s3+$0x0], $0xffff;
	v25 =	vsel vm3, $0x4, v25;
	v29 =	vand.u32 $0xFFFFFC00, v29;
	v13 =	vsel vm12, v28, v13  }
0x53: {  	v24 =	vand.u32 $0x7F, v24;
	v29 =	vadd.s32 v3, v29;
	vm13 =	vgt.s32 v22, v13  }
0x54: {  	v25 =	vsel vm4, $0x5, v25;
	v24 =	vor.u32 v24, v29;
	v29 =	vld.idx.msk [tilespmem:v11+s3+$0x0], $0xffff;
	v11 =	vsel vm13, v22, v13  }
0x55: {  	v25 =	vsel vm5, $0x6, v25;
	v13 =	vor.u32 v4, v24;
	vm14 =	vgt.s32 v26, v11  }
0x56: {  	v24 =	vsel vm6, $0x7, v25;
	v25 =	vld.idx.msk [tilespmem:v12+s3+$0x0], $0xffff;
	v11 =	vsel vm14, v26, v11  }
0x57: {  	v24 =	vsel vm9, $0x8, v24;
	vm15 =	vgt.s32 v23, v11  }
0x58: {  	v12 =	vsel vm10, $0x9, v24;
	v24 =	vld.idx.msk [tilespmem:v15+s3+$0x0], $0xffff;
	v11 =	vsel vm15, v23, v11  }
0x59: {  	v12 =	vsel vm11, $0xA, v12;
	vm6 =	vgt.s32 v29, v11  }
0x5a: {  	v12 =	vsel vm12, $0xB, v12;
	v13 =	vld.idx.msk [tilespmem:v13+s3+$0x0], $0xffff;
	v11 =	vsel vm6, v29, v11  }
0x5b: {  	v12 =	vsel vm13, $0xC, v12;
	vm7 =	vgt.s32 v25, v11  }
0x5c: {  	v12 =	vsel vm14, $0xD, v12;
	v11 =	vsel vm7, v25, v11  }
0x5d: {  	v20 =	vmul.u32 $0x3800, v20;
	v12 =	vsel vm15, $0xE, v12;
	vm8 =	vgt.s32 v24, v11  }
0x5e: {  	v15 =	vshll.u32 v22, $0x5;
	v12 =	vsel vm6, $0xF, v12;
	v11 =	vsel vm8, v24, v11  }
0x5f: {  	v22 =	vshll.u32 v25, $0x5;
	v12 =	vsel vm7, $0x10, v12;
	vm9 =	vgt.s32 v13, v11  }
0x60: {  	v11 =	vsel vm8, $0x11, v12;
	v12 =	vshll.u32 v21, $0x5;
	v21 =	vshll.u32 v19, $0x8  }
0x61: {  	v13 =	vshll.u32 v27, $0x5;
	v30 =	vsel vm9, $0x12, v11;
	v21 =	vand.u32 $0xFFFFF800, v21  }
0x62: {  	v2 =	vadd.s32 v2, v30;
	vm10 =	veq.s32 v30, $0x0;
	vm1 =	veq.s32 v30, $0x1  }
0x63: {  	vm11 =	veq.s32 v30, $0x2;
	vm12 =	veq.s32 v30, $0x3;
	vm13 =	veq.s32 v30, $0x4  }
0x64: {  	vm14 =	veq.s32 v30, $0x5;
	vm15 =	veq.s32 v30, $0x6;
	vm4 =	veq.s32 v30, $0x7  }
0x65: {  	vm5 =	veq.s32 v30, $0x8;
	vm6 =	veq.s32 v30, $0x9;
	vm7 =	veq.s32 v30, $0xA  }
0x66: {  	vm8 =	veq.s32 v30, $0xB;
	vm9 =	veq.s32 v30, $0xC;
	v11 =	vshll.u32 v2, $0x3  }
0x67: {  	v20 =	vadd.s32 v20, v21;
	v2 =	vand.u32 $0x7F, v2;
	v11 =	vand.u32 $0xFFFFFC00, v11  }
0x68: {  	v12 =	vsel vm7, $0x0, v12;
	v13 =	vsel vm8, $0x0, v13;
	v3 =	vadd.s32 v3, v11  }
0x69: {  	v11 =	vshll.u32 v17, $0x5;
	v17 =	vshll.u32 v23, $0x5;
	v23 =	vshll.u32 v19, $0x7  }
0x6a: {  	v2 =	vor.u32 v2, v3;
	v3 =	vshll.u32 v6, $0x5;
	v6 =	vshll.u32 v9, $0x5  }
0x6b: {  	v9 =	vshll.u32 v16, $0x5;
	v11 =	vsel vm6, $0x0, v11;
	v16 =	vshll.u32 v26, $0x5  }
0x6c: {  	v21 =	vand.u32 $0x380, v23;
	v23 =	vshll.u32 v24, $0x5;
	v31 =	vor.u32 v4, v2  }
0x6d: {  	v2 =	vshll.u32 v5, $0x5;
	v3 =	vsel vm1, $0x0, v3;
	v4 =	vshll.u32 v7, $0x5  }
0x6e: {  	v5 =	vshll.u32 v8, $0x5;
	v6 =	vsel vm13, $0x0, v6;
	v7 =	vshll.u32 v10, $0x5  }
0x6f: {  	v8 =	vshll.u32 v14, $0x5;
	v9 =	vsel vm4, $0x0, v9;
	v10 =	vshll.u32 v18, $0x5  }
0x70: {  	v14 =	vshll.u32 v28, $0x5;
	vm13 =	veq.s32 v30, $0x10;
	v18 =	vshll.u32 v29, $0x5  }
0x71: {  	v2 =	vsel vm10, $0x0, v2;
	v4 =	vsel vm11, $0x0, v4;
	v5 =	vsel vm12, $0x0, v5  }
0x72: {  	v7 =	vsel vm14, $0x0, v7;
	v8 =	vsel vm15, $0x0, v8;
	v10 =	vsel vm5, $0x0, v10  }
0x73: {  	vm10 =	veq.s32 v30, $0xD;
	vm11 =	veq.s32 v30, $0xE;
	v14 =	vsel vm9, $0x0, v14;
	v26 =	vld.idx.msk [tilespmem:v31+s3+$0x0], $0xffff  }
0x74: {  	vm12 =	veq.s32 v30, $0xF;
	v18 =	vsel vm13, $0x0, v18;
	vm14 =	veq.s32 v30, $0x11  }
0x75: {  	vm15 =	veq.s32 v30, $0x12;
	v15 =	vsel vm10, $0x0, v15;
	v16 =	vsel vm11, $0x0, v16  }
0x76: {  	v17 =	vsel vm12, $0x0, v17;
	v19 =	vsel vm14, $0x0, v22;
	v22 =	vor.u32 v21, v20  }
0x77: {  	v23 =	vsel vm15, $0x0, v23;
	v25 =	vor.u32 $0x1, v22;
	v27 =	vor.u32 $0x41, v22  }
0x78: {  	s12 =	simm.s32 $0xFFFFFFF8;
	v28 =	vor.u32 $0x400, v22;
	v24 =	vshll.u32 v26, $0x5;
	v26 =	vor.u32 $0x40, v22  }
.LBB2_3:
0x79: {  	s12 =	sadd.s32 $0x8, s12  }
0x7a: {  	s14 =	sand.u32 $0x8, s12  }
0x7b: {  	v29 =	vadd.s32 s14, v0  }
0x7c: {  	s13 =	sand.u32 $0x10, s12;
	v29 =	vand.u32 $0xF, v29  }
0x7d: {  	v29 =	vor.u32 s13, v29  }
0x7e: {  	v30 =	vor.u32 v2, v29  }
0x7f: {  	v31 =	vor.u32 v3, v29  }
0x80: {  	v32 =	vor.u32 v4, v29  }
0x81: {  	v33 =	vor.u32 v5, v29  }
0x82: {  	v34 =	vor.u32 v6, v29  }
0x83: {  	v36 =	vor.u32 v8, v29;
	v35 =	vld.idx.msk [tilespmem:v30+s8+$0x0], $0xffff  }
0x84: {  	v55 =	vor.u32 v9, v29;
	v31 =	vld.idx.msk [tilespmem:v31+s8+$0x0], $0xffff  }
0x85: {  	v38 =	vor.u32 v10, v29;
	v37 =	vld.idx.msk [tilespmem:v32+s8+$0x0], $0xffff  }
0x86: {  	v39 =	vor.u32 v11, v29;
	v33 =	vld.idx.msk [tilespmem:v33+s8+$0x0], $0xffff  }
0x87: {  	v41 =	vor.u32 v13, v29;
	v34 =	vld.idx.msk [tilespmem:v34+s8+$0x0], $0xffff  }
0x88: {  	v30 =	vor.u32 v7, v29;
	v36 =	vld.idx.msk [tilespmem:v36+s8+$0x0], $0xffff  }
0x89: {  	v56 =	vor.u32 v14, v29;
	v42 =	vld.idx.msk [tilespmem:v55+s8+$0x0], $0xffff  }
0x8a: {  	v43 =	vor.u32 v15, v29;
	v38 =	vld.idx.msk [tilespmem:v38+s8+$0x0], $0xffff  }
0x8b: {  	v44 =	vor.u32 v16, v29;
	v39 =	vld.idx.msk [tilespmem:v39+s8+$0x0], $0xffff  }
0x8c: {  	s15 =	sor.u32 $0x1, s14;
	v46 =	vor.u32 v18, v29;
	v41 =	vld.idx.msk [tilespmem:v41+s8+$0x0], $0xffff  }
0x8d: {  	v57 =	vadd.s32 s15, v0;
	v40 =	vld.idx.msk [tilespmem:v30+s8+$0x0], $0xffff;
	v30 =	vor.u32 v12, v29  }
0x8e: {  	v48 =	vor.u32 v19, v29;
	v47 =	vld.idx.msk [tilespmem:v56+s8+$0x0], $0xffff;
	v32 =	vand.u32 $0xF, v57  }
0x8f: {  	v49 =	vor.u32 v23, v29;
	v43 =	vld.idx.msk [tilespmem:v43+s8+$0x0], $0xffff;
	v32 =	vor.u32 s13, v32  }
0x90: {  	v44 =	vld.idx.msk [tilespmem:v44+s8+$0x0], $0xffff;
	v52 =	vor.u32 v3, v32  }
0x91: {  	v46 =	vld.idx.msk [tilespmem:v46+s8+$0x0], $0xffff;
	v53 =	vor.u32 v4, v32  }
0x92: {  	v45 =	vld.idx.msk [tilespmem:v30+s8+$0x0], $0xffff;
	v30 =	vor.u32 v17, v29  }
0x93: {  	v50 =	vor.u32 v24, v29;
	v48 =	vld.idx.msk [tilespmem:v48+s8+$0x0], $0xffff  }
0x94: {  	v49 =	vld.idx.msk [tilespmem:v49+s8+$0x0], $0xffff;
	v58 =	vor.u32 v7, v32  }
0x95: {  	v54 =	vor.u32 v5, v32;
	v60 =	vor.u32 v8, v32;
	v59 =	vadd.bf16 v38, v42;
	v38 =	vld.idx.msk [tilespmem:v52+s8+$0x0], $0xffff  }
0x96: {  	v55 =	vor.u32 v6, v32;
	v61 =	vor.u32 v9, v32;
	v42 =	vld.idx.msk [tilespmem:v53+s8+$0x0], $0xffff;
	v52 =	vor.u32 v11, v32  }
0x97: {  	v63 =	vor.u32 v10, v32;
	v31 =	vadd.bf16 v37, v31;
	v33 =	vadd.bf16 v34, v33;
	v51 =	vld.idx.msk [tilespmem:v30+s8+$0x0], $0xffff  }
0x98: {  	v50 =	vld.idx.msk [tilespmem:v50+s8+$0x0], $0xffff;
	v57 =	vor.u32 v14, v32;
	v41 =	vadd.bf16 v47, v41;
	v43 =	vadd.bf16 v44, v43  }
0x99: {  	v31 =	vadd.bf16 v33, v31;
	v34 =	vld.idx.msk [tilespmem:v58+s8+$0x0], $0xffff;
	v58 =	vadd.bf16 v49, v48;
	v33 =	vshll.u32 v29, $0x1  }
0x9a: {  	s26 =	sor.u32 $0x2, s14;
	v49 =	vor.u32 v33, v22;
	v36 =	vadd.bf16 v36, v40;
	v40 =	vld.idx.msk [tilespmem:v60+s8+$0x0], $0xffff;
	v29 =	vor.u32 v16, v32  }
0x9b: {  	v60 =	vadd.s32 s26, v0;
	v37 =	vld.idx.msk [tilespmem:v52+s8+$0x0], $0xffff;
	v52 =	vor.u32 v18, v32;
	v38 =	vadd.bf16 v42, v38  }
0x9c: {  	v39 =	vadd.bf16 v45, v39;
	v62 =	vadd.bf16 v46, v51;
	v46 =	vld.idx.msk [tilespmem:v54+s8+$0x0], $0xffff;
	v54 =	vor.u32 v12, v32  }
0x9d: {  	v30 =	vor.u32 v2, v32;
	v51 =	vadd.bf16 v59, v36;
	v36 =	vld.idx.msk [tilespmem:v55+s8+$0x0], $0xffff;
	v55 =	vor.u32 v13, v32  }
0x9e: {  	v47 =	vld.idx.msk [tilespmem:v63+s8+$0x0], $0xffff;
	v39 =	vadd.bf16 v41, v39;
	v59 =	vor.u32 v15, v32;
	v53 =	vadd.bf16 v62, v43  }
0x9f: {  	v45 =	vunpack.i.u.bf16.f32 v35;
	v41 =	vld.idx.msk [tilespmem:v57+s8+$0x0], $0xffff;
	v31 =	vadd.bf16 v51, v31;
	v51 =	vor.u32 v17, v32  }
0xa0: {  	v35 =	vunpack.i.l.bf16.f32 v35;
	v34 =	vadd.bf16 v40, v34;
	v56 =	vadd.bf16 v53, v39;
	v39 =	vld.idx.msk [tilespmem:v61+s8+$0x0], $0xffff  }
0xa1: {  	[tilespmem:v49+s9+$0x0] =	vst.idx.msk $0xffff, v35;
	v49 =	vor.u32 v33, v26;
	v62 =	vor.u32 v33, v28;
	v43 =	vld.idx.msk [tilespmem:v54+s8+$0x0], $0xffff  }
0xa2: {  	v53 =	vor.u32 v19, v32;
	v44 =	vld.idx.msk [tilespmem:v55+s8+$0x0], $0xffff;
	v55 =	vor.u32 v33, v25;
	v54 =	vand.u32 $0xF, v60  }
0xa3: {  	v48 =	vld.idx.msk [tilespmem:v59+s8+$0x0], $0xffff;
	v59 =	vor.u32 v24, v32;
	v36 =	vadd.bf16 v36, v46;
	v31 =	vadd.bf16 v56, v31  }
0xa4: {  	v56 =	vor.u32 v23, v32;
	v35 =	vld.idx.msk [tilespmem:v51+s8+$0x0], $0xffff;
	v51 =	vor.u32 v33, v27;
	v33 =	vor.u32 $0x81, v33  }
0xa5: {  	v36 =	vadd.bf16 v36, v38;
	v31 =	vadd.bf16 v31, v58;
	v58 =	vld.idx.msk [tilespmem:v29+s8+$0x0], $0xffff;
	v29 =	vor.u32 s13, v54  }
0xa6: {  	v52 =	vld.idx.msk [tilespmem:v52+s8+$0x0], $0xffff;
	v61 =	vor.u32 v3, v29;
	v63 =	vor.u32 v4, v29;
	v46 =	vor.u32 v7, v29  }
0xa7: {  	v30 =	vld.idx.msk [tilespmem:v30+s8+$0x0], $0xffff;
	v39 =	vadd.bf16 v47, v39;
	v47 =	vor.u32 v8, v29;
	v57 =	vunpack.i.u.bf16.f32 v31  }
0xa8: {  	v53 =	vld.idx.msk [tilespmem:v53+s8+$0x0], $0xffff;
	v54 =	vunpack.i.l.bf16.f32 v31;
	v31 =	vor.u32 v2, v29;
	[tilespmem:v55+s9+$0x0] =	vst.idx.msk $0xffff, v45;
	v45 =	vand.u32 $0x3F, v33  }
0xa9: {  	v33 =	vshll.u32 v33, $0x3;
	v42 =	vld.idx.msk [tilespmem:v59+s8+$0x0], $0xffff;
	v59 =	vor.u32 v6, v29;
	v37 =	vadd.bf16 v43, v37  }
0xaa: {  	v41 =	vadd.bf16 v41, v44;
	v44 =	vor.u32 v9, v29;
	v55 =	vld.idx.msk [tilespmem:v56+s8+$0x0], $0xffff;
	v56 =	vor.u32 v5, v29  }
0xab: {  	v60 =	vunpack.i.l.bf16.f32 v50;
	v33 =	vand.u32 $0x7FFFFC00, v33;
	v34 =	vadd.bf16 v39, v34;
	[tilespmem:v49+s9+$0x0] =	vst.idx.msk $0xffff, v54;
	v40 =	vld.idx.msk [tilespmem:v61+s8+$0x0], $0xffff  }
0xac: {  	v54 =	vor.u32 v18, v29;
	v33 =	vadd.s32 v20, v33;
	v35 =	vadd.bf16 v52, v35;
	v43 =	vld.idx.msk [tilespmem:v63+s8+$0x0], $0xffff  }
0xad: {  	v50 =	vunpack.i.u.bf16.f32 v50;
	v37 =	vadd.bf16 v41, v37;
	[tilespmem:v51+s9+$0x0] =	vst.idx.msk $0xffff, v57;
	v51 =	vshll.u32 v32, $0x1;
	v41 =	vld.idx.msk [tilespmem:v46+s8+$0x0], $0xffff  }
0xae: {  	v48 =	vadd.bf16 v58, v48;
	v33 =	vor.u32 v45, v33;
	v58 =	vor.u32 v14, v29;
	v45 =	vld.idx.msk [tilespmem:v47+s8+$0x0], $0xffff  }
0xaf: {  	v34 =	vadd.bf16 v34, v36;
	[tilespmem:v62+s9+$0x0] =	vst.idx.msk $0xffff, v60;
	v61 =	vor.u32 v11, v29;
	v31 =	vld.idx.msk [tilespmem:v31+s8+$0x0], $0xffff  }
0xb0: {  	s28 =	sor.u32 $0x3, s14;
	v49 =	vor.u32 v51, v22;
	v63 =	vor.u32 v12, v29;
	v38 =	vld.idx.msk [tilespmem:v59+s8+$0x0], $0xffff;
	v35 =	vadd.bf16 v35, v48  }
0xb1: {  	v60 =	vadd.s32 s28, v0;
	v47 =	vor.u32 v13, v29;
	v33 =	vor.u32 v21, v33;
	v36 =	vld.idx.msk [tilespmem:v44+s8+$0x0], $0xffff  }
0xb2: {  	v32 =	vand.u32 $0xF, v60;
	v48 =	vor.u32 v15, v29;
	v52 =	vld.idx.msk [tilespmem:v56+s8+$0x0], $0xffff;
	v35 =	vadd.bf16 v35, v37  }
0xb3: {  	v57 =	vor.u32 v51, v26;
	v32 =	vor.u32 s13, v32;
	v56 =	vor.u32 v10, v29;
	v37 =	vld.idx.msk [tilespmem:v58+s8+$0x0], $0xffff  }
0xb4: {  	v59 =	vadd.bf16 v55, v53;
	v55 =	vor.u32 v51, v25;
	v34 =	vadd.bf16 v35, v34;
	v35 =	vld.idx.msk [tilespmem:v61+s8+$0x0], $0xffff  }
0xb5: {  	v60 =	vor.u32 v2, v32;
	v58 =	vor.u32 v23, v29;
	v61 =	vor.u32 v16, v29;
	v46 =	vld.idx.msk [tilespmem:v63+s8+$0x0], $0xffff  }
0xb6: {  	v63 =	vor.u32 v17, v29;
	v47 =	vld.idx.msk [tilespmem:v47+s8+$0x0], $0xffff;
	[tilespmem:v33+s9+$0x0] =	vst.idx.msk $0xffff, v50;
	v33 =	vunpack.i.u.bf16.f32 v30  }
0xb7: {  	v50 =	vor.u32 v24, v29;
	v30 =	vunpack.i.l.bf16.f32 v30;
	v40 =	vadd.bf16 v43, v40;
	v48 =	vld.idx.msk [tilespmem:v48+s8+$0x0], $0xffff  }
0xb8: {  	v62 =	vunpack.i.l.bf16.f32 v42;
	[tilespmem:v49+s9+$0x0] =	vst.idx.msk $0xffff, v30;
	v30 =	vor.u32 $0x81, v51;
	v49 =	vld.idx.msk [tilespmem:v54+s8+$0x0], $0xffff;
	v54 =	vor.u32 v3, v32  }
0xb9: {  	v42 =	vunpack.i.u.bf16.f32 v42;
	v44 =	vld.idx.msk [tilespmem:v56+s8+$0x0], $0xffff;
	v34 =	vadd.bf16 v34, v59;
	[tilespmem:v55+s9+$0x0] =	vst.idx.msk $0xffff, v33;
	v33 =	vshll.u32 v30, $0x3  }
0xba: {  	v56 =	vor.u32 v19, v29;
	v59 =	vor.u32 v51, v27;
	v33 =	vand.u32 $0x7FFFFC00, v33;
	v39 =	vld.idx.msk [tilespmem:v61+s8+$0x0], $0xffff  }
0xbb: {  	v30 =	vand.u32 $0x3F, v30;
	v33 =	vadd.s32 v20, v33;
	v53 =	vld.idx.msk [tilespmem:v63+s8+$0x0], $0xffff;
	v61 =	vunpack.i.u.bf16.f32 v34  }
0xbc: {  	v34 =	vunpack.i.l.bf16.f32 v34;
	v30 =	vor.u32 v30, v33;
	v33 =	vld.idx.msk [tilespmem:v60+s8+$0x0], $0xffff;
	v60 =	vor.u32 v8, v32  }
0xbd: {  	v38 =	vadd.bf16 v38, v52;
	v63 =	vor.u32 v11, v32;
	[tilespmem:v57+s9+$0x0] =	vst.idx.msk $0xffff, v34;
	v57 =	vld.idx.msk [tilespmem:v58+s8+$0x0], $0xffff  }
0xbe: {  	v41 =	vadd.bf16 v45, v41;
	v51 =	vor.u32 v51, v28;
	v58 =	vor.u32 v5, v32;
	v34 =	vld.idx.msk [tilespmem:v50+s8+$0x0], $0xffff  }
0xbf: {  	v52 =	vor.u32 v9, v32;
	v38 =	vadd.bf16 v38, v40;
	v50 =	vor.u32 v6, v32;
	v54 =	vld.idx.msk [tilespmem:v54+s8+$0x0], $0xffff  }
0xc0: {  	v35 =	vadd.bf16 v46, v35;
	v37 =	vadd.bf16 v37, v47;
	v55 =	vld.idx.msk [tilespmem:v56+s8+$0x0], $0xffff;
	v56 =	vor.u32 v4, v32  }
0xc1: {  	v30 =	vor.u32 v21, v30;
	[tilespmem:v59+s9+$0x0] =	vst.idx.msk $0xffff, v61;
	v59 =	vor.u32 v7, v32;
	v40 =	vld.idx.msk [tilespmem:v60+s8+$0x0], $0xffff  }
0xc2: {  	v29 =	vshll.u32 v29, $0x1;
	v36 =	vadd.bf16 v44, v36;
	v35 =	vadd.bf16 v37, v35;
	v37 =	vld.idx.msk [tilespmem:v63+s8+$0x0], $0xffff  }
0xc3: {  	v61 =	vor.u32 v10, v32;
	[tilespmem:v51+s9+$0x0] =	vst.idx.msk $0xffff, v62;
	v62 =	vor.u32 v16, v32;
	v44 =	vld.idx.msk [tilespmem:v58+s8+$0x0], $0xffff  }
0xc4: {  	v36 =	vadd.bf16 v36, v41;
	v41 =	vor.u32 v18, v32;
	v46 =	vld.idx.msk [tilespmem:v50+s8+$0x0], $0xffff;
	v50 =	vor.u32 v12, v32  }
0xc5: {  	v39 =	vadd.bf16 v39, v48;
	v53 =	vadd.bf16 v49, v53;
	v60 =	vor.u32 v17, v32;
	v43 =	vld.idx.msk [tilespmem:v56+s8+$0x0], $0xffff  }
0xc6: {  	s29 =	sor.u32 $0x4, s14;
	v36 =	vadd.bf16 v36, v38;
	[tilespmem:v30+s9+$0x0] =	vst.idx.msk $0xffff, v42;
	v49 =	vld.idx.msk [tilespmem:v59+s8+$0x0], $0xffff;
	v56 =	vor.u32 v13, v32  }
0xc7: {  	v30 =	vadd.s32 s29, v0;
	v58 =	vadd.bf16 v53, v39;
	v39 =	vld.idx.msk [tilespmem:v52+s8+$0x0], $0xffff;
	v59 =	vor.u32 v14, v32  }
0xc8: {  	v42 =	vunpack.i.u.bf16.f32 v31;
	v31 =	vunpack.i.l.bf16.f32 v31;
	v45 =	vld.idx.msk [tilespmem:v61+s8+$0x0], $0xffff;
	v61 =	vor.u32 v15, v32  }
0xc9: {  	v63 =	vadd.bf16 v57, v55;
	v52 =	vor.u32 v29, v22;
	v35 =	vadd.bf16 v58, v35;
	v47 =	vld.idx.msk [tilespmem:v50+s8+$0x0], $0xffff  }
0xca: {  	v53 =	vor.u32 v19, v32;
	v55 =	vor.u32 v29, v25;
	v30 =	vand.u32 $0xF, v30;
	v50 =	vld.idx.msk [tilespmem:v60+s8+$0x0], $0xffff  }
0xcb: {  	v57 =	vor.u32 v29, v26;
	v30 =	vor.u32 s13, v30;
	v35 =	vadd.bf16 v35, v36;
	v36 =	vld.idx.msk [tilespmem:v56+s8+$0x0], $0xffff  }
0xcc: {  	v58 =	vor.u32 v24, v32;
	v60 =	vor.u32 v29, v27;
	v44 =	vadd.bf16 v46, v44;
	v48 =	vld.idx.msk [tilespmem:v59+s8+$0x0], $0xffff  }
0xcd: {  	v51 =	vld.idx.msk [tilespmem:v61+s8+$0x0], $0xffff;
	v56 =	vor.u32 v23, v32;
	v59 =	vor.u32 v2, v30;
	v61 =	vor.u32 v3, v30  }
0xce: {  	v38 =	vld.idx.msk [tilespmem:v62+s8+$0x0], $0xffff;
	[tilespmem:v52+s9+$0x0] =	vst.idx.msk $0xffff, v31;
	v43 =	vadd.bf16 v43, v54;
	v40 =	vadd.bf16 v40, v49  }
0xcf: {  	v31 =	vor.u32 $0x81, v29;
	v52 =	vld.idx.msk [tilespmem:v53+s8+$0x0], $0xffff;
	v39 =	vadd.bf16 v45, v39;
	v35 =	vadd.bf16 v35, v63  }
0xd0: {  	v53 =	vor.u32 v4, v30;
	[tilespmem:v55+s9+$0x0] =	vst.idx.msk $0xffff, v42;
	v42 =	vshll.u32 v31, $0x3;
	v43 =	vadd.bf16 v44, v43  }
0xd1: {  	v41 =	vld.idx.msk [tilespmem:v41+s8+$0x0], $0xffff;
	v39 =	vadd.bf16 v39, v40;
	v62 =	vunpack.i.u.bf16.f32 v35;
	v35 =	vunpack.i.l.bf16.f32 v35  }
0xd2: {  	[tilespmem:v57+s9+$0x0] =	vst.idx.msk $0xffff, v35;
	v35 =	vand.u32 $0x7FFFFC00, v42;
	v42 =	vld.idx.msk [tilespmem:v58+s8+$0x0], $0xffff;
	v57 =	vor.u32 v6, v30  }
0xd3: {  	v39 =	vadd.bf16 v39, v43;
	v43 =	vor.u32 v16, v30;
	v55 =	vld.idx.msk [tilespmem:v56+s8+$0x0], $0xffff  }
0xd4: {  	v29 =	vor.u32 v29, v28;
	v58 =	vand.u32 $0x3F, v31;
	v56 =	vor.u32 v5, v30;
	v31 =	vld.idx.msk [tilespmem:v59+s8+$0x0], $0xffff  }
0xd5: {  	v54 =	vor.u32 v17, v30;
	v35 =	vadd.s32 v20, v35;
	v59 =	vor.u32 v7, v30;
	v46 =	vld.idx.msk [tilespmem:v53+s8+$0x0], $0xffff  }
0xd6: {  	[tilespmem:v60+s9+$0x0] =	vst.idx.msk $0xffff, v62;
	v60 =	vor.u32 v8, v30;
	v35 =	vor.u32 v58, v35;
	v58 =	vld.idx.msk [tilespmem:v61+s8+$0x0], $0xffff  }
0xd7: {  	v63 =	vunpack.i.l.bf16.f32 v34;
	v37 =	vadd.bf16 v47, v37;
	v53 =	vor.u32 v9, v30;
	v47 =	vld.idx.msk [tilespmem:v57+s8+$0x0], $0xffff  }
0xd8: {  	v34 =	vunpack.i.u.bf16.f32 v34;
	v36 =	vadd.bf16 v48, v36;
	v62 =	vor.u32 v11, v30;
	v43 =	vld.idx.msk [tilespmem:v43+s8+$0x0], $0xffff  }
0xd9: {  	v41 =	vadd.bf16 v41, v50;
	v38 =	vadd.bf16 v38, v51;
	v61 =	vor.u32 v10, v30;
	v45 =	vld.idx.msk [tilespmem:v56+s8+$0x0], $0xffff  }
0xda: {  	v44 =	vor.u32 v18, v30;
	v36 =	vadd.bf16 v36, v37;
	v57 =	vor.u32 v13, v30;
	v50 =	vld.idx.msk [tilespmem:v59+s8+$0x0], $0xffff  }
0xdb: {  	v35 =	vor.u32 v21, v35;
	v40 =	vld.idx.msk [tilespmem:v60+s8+$0x0], $0xffff;
	v59 =	vadd.bf16 v41, v38;
	v60 =	vor.u32 v14, v30  }
0xdc: {  	[tilespmem:v29+s9+$0x0] =	vst.idx.msk $0xffff, v63;
	v29 =	vor.u32 v23, v30;
	v56 =	vor.u32 v12, v30;
	v38 =	vld.idx.msk [tilespmem:v53+s8+$0x0], $0xffff  }
0xdd: {  	v37 =	vld.idx.msk [tilespmem:v62+s8+$0x0], $0xffff;
	v48 =	vadd.bf16 v55, v52;
	v52 =	vshll.u32 v32, $0x1;
	v36 =	vadd.bf16 v59, v36  }
0xde: {  	v53 =	vor.u32 v15, v30;
	v62 =	vor.u32 v19, v30;
	v49 =	vld.idx.msk [tilespmem:v61+s8+$0x0], $0xffff;
	v55 =	vor.u32 v52, v25  }
0xdf: {  	s30 =	sor.u32 $0x5, s14;
	v63 =	vor.u32 v52, v28;
	v46 =	vadd.bf16 v46, v58;
	v61 =	vadd.bf16 v36, v39;
	v39 =	vld.idx.msk [tilespmem:v57+s8+$0x0], $0xffff  }
0xe0: {  	v59 =	vor.u32 v24, v30;
	[tilespmem:v35+s9+$0x0] =	vst.idx.msk $0xffff, v34;
	v41 =	vld.idx.msk [tilespmem:v60+s8+$0x0], $0xffff;
	v60 =	vadd.s32 s30, v0  }
0xe1: {  	v36 =	vor.u32 v52, v22;
	v51 =	vld.idx.msk [tilespmem:v56+s8+$0x0], $0xffff;
	v56 =	vor.u32 v52, v26;
	v57 =	vand.u32 $0xF, v60  }
0xe2: {  	v35 =	vld.idx.msk [tilespmem:v54+s8+$0x0], $0xffff;
	v45 =	vadd.bf16 v47, v45;
	v40 =	vadd.bf16 v40, v50;
	v32 =	vor.u32 s13, v57  }
0xe3: {  	v53 =	vld.idx.msk [tilespmem:v53+s8+$0x0], $0xffff;
	v48 =	vadd.bf16 v61, v48;
	v61 =	vunpack.i.u.bf16.f32 v33;
	v54 =	vor.u32 v2, v32  }
0xe4: {  	v34 =	vld.idx.msk [tilespmem:v62+s8+$0x0], $0xffff;
	v33 =	vunpack.i.l.bf16.f32 v33;
	v60 =	vor.u32 v52, v27;
	v62 =	vor.u32 v5, v32  }
0xe5: {  	v52 =	vor.u32 $0x81, v52;
	v38 =	vadd.bf16 v49, v38;
	v59 =	vld.idx.msk [tilespmem:v59+s8+$0x0], $0xffff;
	v1 =	vor.u32 v6, v32  }
0xe6: {  	v45 =	vadd.bf16 v45, v46;
	v50 =	vor.u32 v8, v32;
	[tilespmem:v36+s9+$0x0] =	vst.idx.msk $0xffff, v33;
	v33 =	vld.idx.msk [tilespmem:v44+s8+$0x0], $0xffff  }
0xe7: {  	v57 =	vunpack.i.u.bf16.f32 v48;
	v48 =	vunpack.i.l.bf16.f32 v48;
	v58 =	vor.u32 v10, v32;
	[tilespmem:v55+s9+$0x0] =	vst.idx.msk $0xffff, v61;
	v61 =	vld.idx.msk [tilespmem:v29+s8+$0x0], $0xffff  }
0xe8: {  	v47 =	vor.u32 v7, v32;
	v38 =	vadd.bf16 v38, v40;
	v36 =	vor.u32 v3, v32;
	v29 =	vld.idx.msk [tilespmem:v54+s8+$0x0], $0xffff  }
0xe9: {  	v44 =	vunpack.i.u.bf16.f32 v42;
	v42 =	vunpack.i.l.bf16.f32 v42;
	v37 =	vadd.bf16 v51, v37;
	v51 =	vld.idx.msk [tilespmem:v62+s8+$0x0], $0xffff  }
0xea: {  	v55 =	vor.u32 v4, v32;
	v39 =	vadd.bf16 v41, v39;
	v41 =	vor.u32 v11, v32;
	v1 =	vld.idx.msk [tilespmem:v1+s8+$0x0], $0xffff  }
0xeb: {  	v43 =	vadd.bf16 v43, v53;
	v53 =	vor.u32 v19, v32;
	[tilespmem:v56+s9+$0x0] =	vst.idx.msk $0xffff, v48;
	v40 =	vld.idx.msk [tilespmem:v50+s8+$0x0], $0xffff  }
0xec: {  	v38 =	vadd.bf16 v38, v45;
	v37 =	vadd.bf16 v39, v37;
	[tilespmem:v60+s9+$0x0] =	vst.idx.msk $0xffff, v57;
	v50 =	vld.idx.msk [tilespmem:v58+s8+$0x0], $0xffff  }
0xed: {  	v60 =	vor.u32 v17, v32;
	v58 =	vor.u32 v15, v32;
	v36 =	vld.idx.msk [tilespmem:v36+s8+$0x0], $0xffff;
	v33 =	vadd.bf16 v33, v35  }
0xee: {  	v54 =	vand.u32 $0x3F, v52;
	v52 =	vshll.u32 v52, $0x3;
	v35 =	vld.idx.msk [tilespmem:v47+s8+$0x0], $0xffff;
	v47 =	vor.u32 v12, v32  }
0xef: {  	v52 =	vand.u32 $0x7FFFFC00, v52;
	v49 =	vld.idx.msk [tilespmem:v55+s8+$0x0], $0xffff;
	v55 =	vor.u32 v9, v32;
	v33 =	vadd.bf16 v33, v43  }
0xf0: {  	v57 =	vor.u32 v24, v32;
	v62 =	vor.u32 v13, v32;
	v52 =	vadd.s32 v20, v52;
	v53 =	vld.idx.msk [tilespmem:v53+s8+$0x0], $0xffff  }
0xf1: {  	s31 =	sor.u32 $0x6, s14;
	v43 =	vor.u32 v14, v32;
	v56 =	vor.u32 v54, v52;
	v33 =	vadd.bf16 v33, v37;
	v37 =	vld.idx.msk [tilespmem:v41+s8+$0x0], $0xffff  }
0xf2: {  	[tilespmem:v63+s9+$0x0] =	vst.idx.msk $0xffff, v42;
	v42 =	vshll.u32 v30, $0x1;
	v30 =	vadd.s32 s31, v0;
	v45 =	vor.u32 v21, v56;
	v52 =	vld.idx.msk [tilespmem:v58+s8+$0x0], $0xffff  }
0xf3: {  	v30 =	vand.u32 $0xF, v30;
	v34 =	vadd.bf16 v61, v34;
	v41 =	vor.u32 v16, v32;
	v47 =	vld.idx.msk [tilespmem:v47+s8+$0x0], $0xffff  }
0xf4: {  	v30 =	vor.u32 s13, v30;
	v61 =	vor.u32 v42, v28;
	v54 =	vor.u32 v42, v22;
	v39 =	vld.idx.msk [tilespmem:v55+s8+$0x0], $0xffff  }
0xf5: {  	v48 =	vor.u32 v2, v30;
	v33 =	vadd.bf16 v33, v38;
	v38 =	vld.idx.msk [tilespmem:v62+s8+$0x0], $0xffff;
	v62 =	vor.u32 v18, v32  }
0xf6: {  	v56 =	vor.u32 v42, v25;
	v1 =	vadd.bf16 v1, v51;
	v55 =	vor.u32 v23, v32;
	v43 =	vld.idx.msk [tilespmem:v43+s8+$0x0], $0xffff  }
0xf7: {  	v36 =	vadd.bf16 v49, v36;
	v49 =	vor.u32 v11, v30;
	[tilespmem:v45+s9+$0x0] =	vst.idx.msk $0xffff, v44;
	v45 =	vld.idx.msk [tilespmem:v60+s8+$0x0], $0xffff  }
0xf8: {  	v44 =	vor.u32 v42, v26;
	v34 =	vadd.bf16 v33, v34;
	v33 =	vunpack.i.l.bf16.f32 v31;
	v41 =	vld.idx.msk [tilespmem:v41+s8+$0x0], $0xffff  }
0xf9: {  	v58 =	vor.u32 v42, v27;
	v60 =	vor.u32 v3, v30;
	[tilespmem:v54+s9+$0x0] =	vst.idx.msk $0xffff, v33;
	v33 =	vld.idx.msk [tilespmem:v57+s8+$0x0], $0xffff  }
0xfa: {  	v31 =	vunpack.i.u.bf16.f32 v31;
	v1 =	vadd.bf16 v1, v36;
	v46 =	vld.idx.msk [tilespmem:v62+s8+$0x0], $0xffff;
	v62 =	vor.u32 v4, v30  }
0xfb: {  	v42 =	vor.u32 $0x81, v42;
	[tilespmem:v56+s9+$0x0] =	vst.idx.msk $0xffff, v31;
	v31 =	vunpack.i.l.bf16.f32 v34;
	v54 =	vld.idx.msk [tilespmem:v55+s8+$0x0], $0xffff;
	v55 =	vor.u32 v5, v30  }
0xfc: {  	v56 =	vor.u32 v6, v30;
	v34 =	vunpack.i.u.bf16.f32 v34;
	v37 =	vadd.bf16 v47, v37;
	v36 =	vld.idx.msk [tilespmem:v49+s8+$0x0], $0xffff  }
0xfd: {  	v39 =	vadd.bf16 v50, v39;
	v50 =	vor.u32 v14, v30;
	[tilespmem:v44+s9+$0x0] =	vst.idx.msk $0xffff, v31;
	v31 =	vld.idx.msk [tilespmem:v48+s8+$0x0], $0xffff  }
0xfe: {  	v63 =	vshll.u32 v42, $0x3;
	v44 =	vor.u32 v7, v30;
	v48 =	vunpack.i.l.bf16.f32 v59;
	v57 =	vld.idx.msk [tilespmem:v60+s8+$0x0], $0xffff;
	[tilespmem:v58+s9+$0x0] =	vst.idx.msk $0xffff, v34  }
0xff: {  	v42 =	vand.u32 $0x3F, v42;
	v60 =	vor.u32 v9, v30;
	v34 =	vand.u32 $0x7FFFFC00, v63;
	[tilespmem:v61+s9+$0x0] =	vst.idx.msk $0xffff, v48;
	v48 =	vld.idx.msk [tilespmem:v62+s8+$0x0], $0xffff  }
0x100: {  	v38 =	vadd.bf16 v43, v38;
	v58 =	vor.u32 v8, v30;
	v34 =	vadd.s32 v20, v34;
	v55 =	vld.idx.msk [tilespmem:v55+s8+$0x0], $0xffff  }
0x101: {  	v63 =	vor.u32 v13, v30;
	v34 =	vor.u32 v42, v34;
	v42 =	vld.idx.msk [tilespmem:v56+s8+$0x0], $0xffff  }
0x102: {  	v41 =	vadd.bf16 v41, v52;
	v52 =	vor.u32 v15, v30;
	v37 =	vadd.bf16 v38, v37;
	v38 =	vld.idx.msk [tilespmem:v50+s8+$0x0], $0xffff  }
0x103: {  	v32 =	vshll.u32 v32, $0x1;
	v61 =	vor.u32 v10, v30;
	v44 =	vld.idx.msk [tilespmem:v44+s8+$0x0], $0xffff  }
0x104: {  	v35 =	vadd.bf16 v40, v35;
	v51 =	vor.u32 v32, v22;
	v62 =	vor.u32 v12, v30;
	v47 =	vld.idx.msk [tilespmem:v60+s8+$0x0], $0xffff  }
0x105: {  	v45 =	vadd.bf16 v46, v45;
	v46 =	vor.u32 v16, v30;
	v34 =	vor.u32 v21, v34;
	v40 =	vld.idx.msk [tilespmem:v58+s8+$0x0], $0xffff  }
0x106: {  	s14 =	sor.u32 $0x7, s14;
	v49 =	vor.u32 v17, v30;
	v35 =	vadd.bf16 v39, v35;
	v56 =	vunpack.i.u.bf16.f32 v59;
	v58 =	vld.idx.msk [tilespmem:v63+s8+$0x0], $0xffff  }
0x107: {  	v59 =	vor.u32 v18, v30;
	v60 =	vadd.s32 s14, v0;
	v41 =	vadd.bf16 v45, v41;
	v45 =	vld.idx.msk [tilespmem:v52+s8+$0x0], $0xffff  }
0x108: {  	v1 =	vadd.bf16 v35, v1;
	v50 =	vor.u32 v19, v30;
	v60 =	vand.u32 $0xF, v60;
	v43 =	vld.idx.msk [tilespmem:v61+s8+$0x0], $0xffff  }
0x109: {  	v52 =	vor.u32 v23, v30;
	v60 =	vor.u32 s13, v60;
	v37 =	vadd.bf16 v41, v37;
	v39 =	vld.idx.msk [tilespmem:v62+s8+$0x0], $0xffff  }
0x10a: {  	v41 =	vadd.bf16 v54, v53;
	v35 =	vor.u32 v3, v60;
	[tilespmem:v34+s9+$0x0] =	vst.idx.msk $0xffff, v56;
	v34 =	vld.idx.msk [tilespmem:v46+s8+$0x0], $0xffff  }
0x10b: {  	v54 =	vor.u32 v32, v25;
	v62 =	vunpack.i.l.bf16.f32 v29;
	v63 =	vor.u32 v4, v60;
	v46 =	vld.idx.msk [tilespmem:v49+s8+$0x0], $0xffff  }
0x10c: {  	v48 =	vadd.bf16 v48, v57;
	v57 =	vor.u32 v11, v60;
	[tilespmem:v51+s9+$0x0] =	vst.idx.msk $0xffff, v62;
	v51 =	vld.idx.msk [tilespmem:v59+s8+$0x0], $0xffff  }
0x10d: {  	v53 =	vor.u32 v5, v60;
	v42 =	vadd.bf16 v42, v55;
	v1 =	vadd.bf16 v37, v1;
	v37 =	vld.idx.msk [tilespmem:v50+s8+$0x0], $0xffff  }
0x10e: {  	v61 =	vor.u32 v7, v60;
	v55 =	vor.u32 v32, v26;
	v59 =	vor.u32 v6, v60;
	v52 =	vld.idx.msk [tilespmem:v52+s8+$0x0], $0xffff  }
0x10f: {  	v29 =	vunpack.i.u.bf16.f32 v29;
	v62 =	vor.u32 v8, v60;
	v42 =	vadd.bf16 v42, v48;
	v35 =	vld.idx.msk [tilespmem:v35+s8+$0x0], $0xffff  }
0x110: {  	v49 =	vor.u32 v14, v60;
	v40 =	vadd.bf16 v40, v44;
	v36 =	vadd.bf16 v39, v36;
	v39 =	vld.idx.msk [tilespmem:v63+s8+$0x0], $0xffff  }
0x111: {  	v56 =	vor.u32 v10, v60;
	v38 =	vadd.bf16 v38, v58;
	v1 =	vadd.bf16 v1, v41;
	v50 =	vld.idx.msk [tilespmem:v57+s8+$0x0], $0xffff  }
0x112: {  	v43 =	vadd.bf16 v43, v47;
	v63 =	vor.u32 v9, v60;
	v34 =	vadd.bf16 v34, v45;
	v45 =	vld.idx.msk [tilespmem:v53+s8+$0x0], $0xffff  }
0x113: {  	v58 =	vor.u32 $0x81, v32;
	[tilespmem:v54+s9+$0x0] =	vst.idx.msk $0xffff, v29;
	v54 =	vor.u32 v24, v30;
	v48 =	vld.idx.msk [tilespmem:v59+s8+$0x0], $0xffff  }
0x114: {  	v29 =	vunpack.i.u.bf16.f32 v1;
	v46 =	vadd.bf16 v51, v46;
	v40 =	vadd.bf16 v43, v40;
	v43 =	vld.idx.msk [tilespmem:v61+s8+$0x0], $0xffff  }
0x115: {  	v1 =	vunpack.i.l.bf16.f32 v1;
	v59 =	vor.u32 v12, v60;
	v61 =	vor.u32 v13, v60;
	v49 =	vld.idx.msk [tilespmem:v49+s8+$0x0], $0xffff  }
0x116: {  	v51 =	vshll.u32 v58, $0x3;
	v36 =	vadd.bf16 v38, v36;
	v38 =	vld.idx.msk [tilespmem:v62+s8+$0x0], $0xffff;
	v34 =	vadd.bf16 v46, v34  }
0x117: {  	v62 =	vand.u32 $0x3F, v58;
	v58 =	vor.u32 v17, v60;
	v40 =	vadd.bf16 v40, v42;
	v42 =	vld.idx.msk [tilespmem:v63+s8+$0x0], $0xffff  }
0x118: {  	[tilespmem:v55+s9+$0x0] =	vst.idx.msk $0xffff, v1;
	v55 =	vor.u32 v19, v60;
	v34 =	vadd.bf16 v34, v36;
	v36 =	vld.idx.msk [tilespmem:v56+s8+$0x0], $0xffff  }
0x119: {  	v63 =	vor.u32 v15, v60;
	v35 =	vadd.bf16 v39, v35;
	v39 =	vld.idx.msk [tilespmem:v54+s8+$0x0], $0xffff  }
0x11a: {  	v51 =	vand.u32 $0x7FFFFC00, v51;
	v56 =	vor.u32 v16, v60;
	v57 =	vld.idx.msk [tilespmem:v59+s8+$0x0], $0xffff  }
0x11b: {  	v1 =	vunpack.i.u.bf16.f32 v33;
	v51 =	vadd.s32 v20, v51;
	v46 =	vld.idx.msk [tilespmem:v61+s8+$0x0], $0xffff;
	v61 =	vor.u32 v18, v60  }
0x11c: {  	v33 =	vunpack.i.l.bf16.f32 v33;
	v59 =	vor.u32 v62, v51;
	v62 =	vor.u32 v32, v27;
	v44 =	vld.idx.msk [tilespmem:v58+s8+$0x0], $0xffff  }
0x11d: {  	v37 =	vadd.bf16 v52, v37;
	v32 =	vor.u32 v32, v28;
	v38 =	vadd.bf16 v38, v43;
	v43 =	vld.idx.msk [tilespmem:v55+s8+$0x0], $0xffff  }
0x11e: {  	v45 =	vadd.bf16 v48, v45;
	v48 =	vunpack.i.u.bf16.f32 v31;
	v34 =	vadd.bf16 v34, v40;
	v63 =	vld.idx.msk [tilespmem:v63+s8+$0x0], $0xffff  }
0x11f: {  	v31 =	vunpack.i.l.bf16.f32 v31;
	v51 =	vor.u32 v2, v60;
	v41 =	vor.u32 v21, v59;
	v52 =	vld.idx.msk [tilespmem:v56+s8+$0x0], $0xffff  }
0x120: {  	v55 =	vor.u32 v24, v60;
	v35 =	vadd.bf16 v45, v35;
	v34 =	vadd.bf16 v34, v37;
	v47 =	vld.idx.msk [tilespmem:v61+s8+$0x0], $0xffff  }
0x121: {  	v56 =	vor.u32 v23, v60;
	v54 =	vunpack.i.u.bf16.f32 v39;
	[tilespmem:v62+s9+$0x0] =	vst.idx.msk $0xffff, v29;
	v29 =	vshll.u32 v30, $0x1  }
0x122: {  	v30 =	vadd.bf16 v36, v42;
	v57 =	vadd.bf16 v57, v50;
	v58 =	vor.u32 v29, v22  }
0x123: {  	v39 =	vunpack.i.l.bf16.f32 v39;
	v59 =	vadd.bf16 v49, v46;
	[tilespmem:v32+s9+$0x0] =	vst.idx.msk $0xffff, v33;
	v61 =	vor.u32 v29, v25  }
0x124: {  	v49 =	vor.u32 $0x81, v29;
	[tilespmem:v41+s9+$0x0] =	vst.idx.msk $0xffff, v1;
	v1 =	vunpack.i.u.bf16.f32 v34;
	v30 =	vadd.bf16 v30, v38  }
0x125: {  	v50 =	vshll.u32 v49, $0x3;
	v62 =	vadd.bf16 v52, v63;
	v44 =	vadd.bf16 v47, v44  }
0x126: {  	v32 =	vadd.bf16 v59, v57;
	v57 =	vshll.u32 v60, $0x1;
	v63 =	vor.u32 v29, v26;
	v36 =	vld.idx.msk [tilespmem:v56+s8+$0x0], $0xffff  }
0x127: {  	v45 =	vand.u32 $0x7FFFFC00, v50;
	[tilespmem:v58+s9+$0x0] =	vst.idx.msk $0xffff, v31;
	v31 =	vor.u32 v29, v27;
	v53 =	vadd.bf16 v44, v62  }
0x128: {  	v52 =	vand.u32 $0x3F, v49;
	v45 =	vadd.s32 v20, v45;
	v29 =	vor.u32 v29, v28  }
0x129: {  	v30 =	vadd.bf16 v30, v35;
	v56 =	vld.idx.msk [tilespmem:v51+s8+$0x0], $0xffff;
	v33 =	vor.u32 v52, v45;
	v32 =	vadd.bf16 v53, v32  }
0x12a: {  	v34 =	vunpack.i.l.bf16.f32 v34;
	v33 =	vor.u32 v21, v33;
	v58 =	vor.u32 v57, v22;
	[tilespmem:v61+s9+$0x0] =	vst.idx.msk $0xffff, v48  }
0x12b: {  	v59 =	vor.u32 $0x81, v57;
	v36 =	vadd.bf16 v36, v43;
	[tilespmem:v63+s9+$0x0] =	vst.idx.msk $0xffff, v34;
	v30 =	vadd.bf16 v32, v30  }
0x12c: {  	v60 =	vor.u32 v57, v27;
	[tilespmem:v31+s9+$0x0] =	vst.idx.msk $0xffff, v1;
	v1 =	vor.u32 v57, v25;
	v31 =	vshll.u32 v59, $0x3  }
0x12d: {  	[tilespmem:v29+s9+$0x0] =	vst.idx.msk $0xffff, v39;
	v31 =	vand.u32 $0x7FFFFC00, v31;
	v29 =	vadd.bf16 v30, v36;
	v30 =	vor.u32 v57, v26  }
0x12e: {  	v35 =	vld.idx.msk [tilespmem:v55+s8+$0x0], $0xffff;
	v34 =	vand.u32 $0x3F, v59;
	v61 =	vunpack.i.l.bf16.f32 v56;
	v31 =	vadd.s32 v20, v31  }
0x12f: {  	v38 =	vor.u32 v57, v28;
	[tilespmem:v58+s9+$0x0] =	vst.idx.msk $0xffff, v61;
	v31 =	vor.u32 v34, v31  }
0x130: {  	p0 =	slt.u32 s12, $0x18;
	v62 =	vunpack.i.u.bf16.f32 v56;
	[tilespmem:v33+s9+$0x0] =	vst.idx.msk $0xffff, v54;
	v31 =	vor.u32 v21, v31  }
.Ltmp0:
0x131: {  	v63 =	vunpack.i.l.bf16.f32 v29;
	[tilespmem:v1+s9+$0x0] =	vst.idx.msk $0xffff, v62;
	(pc) =	sbr.rel @p0 .LBB2_3-.Ltmp0, $4  }
0x132: {  	v1 =	vunpack.i.u.bf16.f32 v29;
	[tilespmem:v30+s9+$0x0] =	vst.idx.msk $0xffff, v63  }
0x133: {  	v29 =	vunpack.i.l.bf16.f32 v35;
	[tilespmem:v60+s9+$0x0] =	vst.idx.msk $0xffff, v1  }
0x134: {  	v1 =	vunpack.i.u.bf16.f32 v35;
	[tilespmem:v38+s9+$0x0] =	vst.idx.msk $0xffff, v29  }
0x135: {  	[tilespmem:v31+s9+$0x0] =	vst.idx.msk $0xffff, v1  }
0x136: {  	s11 =	sadd.s32 $0x1, s11  }
0x137: {  	p0 =	sne.s32 s11, $0x19  }
.Ltmp1:
0x138: {  	_ = 	snop;
	(pc) =	sbr.rel @p0 .LBB2_2-.Ltmp1, $1  }
0x139: {  	_ =	sdelay $0x3  }
0x13a: {  	s10 =	sadd.s32 $0x1, s10  }
0x13b: {  	p0 =	sne.s32 s10, s6  }
.Ltmp2:
0x13c: {  	_ = 	snop;
	(pc) =	sbr.rel @p0 .LBB2_1-.Ltmp2, $4  }
0x13d: {  	[hbm4b:s5+s3] =	stream.linear.scatter [tilespmem:s9], [sflag:$0x1], $0x1C000, $0x38;
	[tilespmem:$0x1F000] =	vst v63  }
0x13e: {  	_ =	swait.ge [sflag:s7], $0x1C000  }
0x13f: {  	[sflag:s7] =	ssyncset.done $0x0  }
0x140: {  	[sflag:s7] =	ssyncadd.s32 $0xFFFE4000  }
0x141: {  	_ =	sfence.sel $0x180000  }
0x142: {  	[bflag:$0x0] =	sbarrier.arrive $0xFFFF  }
0x143: {  	p0 =	sne.s32 s0, $0x0;
	_ =	strace $0x90000047  }
0x144: {  	s0 =	sadd.s32 @!p0 $0x100000, s1;
	[bflag:$0x2] =	sbarrier.arrive $0xFFFF  }
0x145: {  	[sflag:s0] =	ssyncadd.tile.s32 @!p0 $0x1;
	_ =	shalt  }
.Lfunc_end2:
_tile_overlayer_lowered:
.L_overlay_start_2:
0x146: {  	(tag) =	ssettag $0x2  }
0x147: {  	s0 =	rddreg [dreg:$0x0];
	s2 =	stileid.u32  }
0x148: {  	s1 =	rddreg [dreg:$0x1];
	p0 =	sne.s32 s2, $0x0  }
0x149: {  	s3 =	rddreg [dreg:$0x2];
	[bflag:$0x3] =	sbarrier.arrive $0xFFFF;
	s2 =	simm.s32 @!p0 $0x1C01  }
0x14a: {  	[timem:s3], [sflag:s2] =	dma.local @!p0 [hbm:s0], s1  }
0x14b: {  	s0 =	simm.s32 @!p0 $0x1  }
0x14c: {  	_ =	swait.ge @!p0 [sflag:s0], s1  }
0x14d: {  	s1 =	ssub.s32 @!p0 $0x0, s1;
	[sflag:s0] =	ssyncset.done @!p0 $0x0  }
0x14e: {  	[sflag:s0] =	ssyncadd.s32 @!p0 s1  }
0x14f: {  	[bflag:$0x3] =	sbarrier.arrive $0xFFFF  }
0x150: {  	_ =	shalt  }

</sc_bundles>
